<compile_context>
chip_gen: v7x
topology: tpu7x:2x2x1
jax: 0.10.2.dev20260603
libtpu: 0.0.44.dev20260713+nightly
codegen_flags: <defaults>
</compile_context>

<pallas_src>
import functools

import jax
import jax.numpy as jnp
from jax import lax
from jax.experimental import pallas as pl
from jax.experimental.pallas import tpu as pltpu
from jax.experimental.pallas import tpu_sc as plsc

NPOINT = 1024
NSAMPLE = 32
RADIUS2 = 1.0
NROW = 8
LANES = 16
SBLK = 512


def _fps_body(xyz_ref, xyzs_ref, ox_ref, oy_ref, oz_ref, dists_ref):
    b_ = xyz_ref.shape[0]
    nrow, ncol = xyz_ref.shape[2], xyz_ref.shape[3]
    n = nrow * ncol
    shape = (nrow, ncol)
    lin = (lax.broadcasted_iota(jnp.int32, shape, 0) * ncol
           + lax.broadcasted_iota(jnp.int32, shape, 1))
    xs = [xyz_ref[b, 0] for b in range(b_)]
    ys = [xyz_ref[b, 1] for b in range(b_)]
    zs = [xyz_ref[b, 2] for b in range(b_)]

    def body(i, fars):
        cxs = [xyzs_ref[b, 0, fars[b]] for b in range(b_)]
        cys = [xyzs_ref[b, 1, fars[b]] for b in range(b_)]
        sels = [lin == fars[b] for b in range(b_)]
        czs = [jnp.sum(jnp.where(sels[b], zs[b], 0.0)) for b in range(b_)]
        for b in range(b_):
            ox_ref[b, 0, i] = cxs[b]
            oy_ref[b, 0, i] = cys[b]
            oz_ref[b, 0, i] = czs[b]
        nds = []
        for b in range(b_):
            dx = xs[b] - cxs[b]
            dy = ys[b] - cys[b]
            dz = zs[b] - czs[b]
            d = dx * dx + dy * dy + dz * dz
            nds.append(jnp.minimum(dists_ref[b], d))
        for b in range(b_):
            dists_ref[b] = nds[b]
        m_s = [jnp.max(nds[b]) for b in range(b_)]
        return tuple(
            jnp.min(jnp.where(nds[b] == m_s[b], lin, n)).astype(jnp.int32)
            for b in range(b_))

    for b in range(b_):
        dists_ref[b] = jnp.full(shape, 1e10, jnp.float32)
    lax.fori_loop(0, NPOINT, body, (jnp.int32(0),) * b_)


def _fps(xyz_r):
    b_, _, nrow, ncol = xyz_r.shape
    out_shape = [jax.ShapeDtypeStruct((b_, 1, NPOINT), jnp.float32)] * 3
    return pl.pallas_call(
        _fps_body,
        grid=(1,),
        in_specs=[
            pl.BlockSpec((b_, 3, nrow, ncol), lambda g: (0, 0, 0, 0)),
            pl.BlockSpec((b_, 2, nrow * ncol), lambda g: (0, 0, 0),
                         memory_space=pltpu.SMEM),
        ],
        out_specs=[pl.BlockSpec((b_, 1, NPOINT), lambda g: (0, 0, 0),
                                memory_space=pltpu.SMEM)] * 3,
        out_shape=out_shape,
        scratch_shapes=[pltpu.VMEM((b_, nrow, ncol), jnp.float32)],
    )(xyz_r, xyz_r[:, :2].reshape(b_, 2, nrow * ncol))


UNROLL = 8


def _make_ball_query(b_, n):
    nworkers = 32
    wpb = nworkers // b_
    cpw = NPOINT // wpb
    nchunk = n // LANES
    mesh = plsc.VectorSubcoreMesh(core_axis_name="c", subcore_axis_name="s")

    @functools.partial(
        pl.kernel,
        mesh=mesh,
        compiler_params=pltpu.CompilerParams(needs_layout_passes=False),
        out_type=jax.ShapeDtypeStruct((b_, 4 * NSAMPLE, NPOINT), jnp.float32),
        scratch_types=[
            pltpu.VMEM((n,), jnp.float32),
            pltpu.VMEM((n,), jnp.float32),
            pltpu.VMEM((n,), jnp.float32),
            pltpu.VMEM((n,), jnp.float32),
            pltpu.VMEM((NPOINT,), jnp.float32),
            pltpu.VMEM((NPOINT,), jnp.float32),
            pltpu.VMEM((NPOINT,), jnp.float32),
            pltpu.VMEM((192,), jnp.int32),
            pltpu.VMEM((4 * NSAMPLE, cpw), jnp.float32),
        ],
    )
    def bq(x_hbm, y_hbm, z_hbm, f_hbm, cx_hbm, cy_hbm, cz_hbm, out_hbm,
           x_v, y_v, z_v, f_v, cx_v, cy_v, cz_v, idx_v, out_v):
        wid = lax.axis_index("s") * 2 + lax.axis_index("c")
        b = wid // wpb
        k = wid % wpb
        pltpu.sync_copy(x_hbm.at[b], x_v)
        pltpu.sync_copy(y_hbm.at[b], y_v)
        pltpu.sync_copy(z_hbm.at[b], z_v)
        pltpu.sync_copy(f_hbm.at[b], f_v)
        pltpu.sync_copy(cx_hbm.at[b], cx_v)
        pltpu.sync_copy(cy_hbm.at[b], cy_v)
        pltpu.sync_copy(cz_hbm.at[b], cz_v)
        lanes = lax.iota(jnp.int32, LANES)

        def per_centroid(ci, carry):
            splat_s = jnp.full((LANES,), ci * wpb + k, jnp.int32)
            cxv = plsc.load_gather(cx_v, [splat_s])
            cyv = plsc.load_gather(cy_v, [splat_s])
            czv = plsc.load_gather(cz_v, [splat_s])

            def w_cond(st):
                chunk, count = st
                return jnp.logical_and(count < NSAMPLE, chunk < nchunk)

            def w_body(st):
                chunk, count = st
                ms = []
                packs = []
                packed = jnp.zeros((LANES,), jnp.int32)
                for u in range(UNROLL):
                    base = (chunk + u) * LANES
                    xv = x_v[pl.ds(base, LANES)]
                    yv = y_v[pl.ds(base, LANES)]
                    zv = z_v[pl.ds(base, LANES)]
                    dx = xv - cxv
                    dy = yv - cyv
                    dz = zv - czv
                    d = dx * dx + dy * dy + dz * dz
                    m = d <= RADIUS2
                    ms.append(m)
                    cnt_u = plsc.all_reduce_population_count(m)
                    packed = packed + (cnt_u << (8 * (u % 4)))
                    if u % 4 == 3:
                        packs.append(packed)
                        packed = jnp.zeros((LANES,), jnp.int32)
                tots = [jnp.max(p) for p in packs]
                cnts = [(t >> (8 * q)) & 0xFF for t in tots for q in range(4)]
                anyhit = tots[0]
                for t in tots[1:]:
                    anyhit = anyhit | t

                @pl.when(anyhit > 0)
                def _append():
                    off = count
                    for u in range(UNROLL):
                        plsc.store_compressed(
                            idx_v.at[pl.ds(off, LANES)],
                            (chunk + u) * LANES + lanes, mask=ms[u])
                        off = off + cnts[u]

                total = cnts[0]
                for cn in cnts[1:]:
                    total = total + cn
                return (chunk + UNROLL, count + total)

            _, count = lax.while_loop(w_cond, w_body,
                                      (jnp.int32(0), jnp.int32(0)))
            head = idx_v[pl.ds(0, LANES)]
            first_s = jnp.max(jnp.where(lanes == 0, head,
                                        jnp.int32(-2147483648)))
            first = jnp.full((LANES,), first_s, jnp.int32)
            countv = jnp.full((LANES,), count, jnp.int32)
            for h in range(NSAMPLE // LANES):
                slots = lanes + LANES * h
                cur = idx_v[pl.ds(LANES * h, LANES)]
                idx_v[pl.ds(LANES * h, LANES)] = jnp.where(
                    slots < countv, cur, first)
            splat_c = jnp.full((LANES,), ci, jnp.int32)
            for h in range(NSAMPLE // LANES):
                iv = jnp.clip(idx_v[pl.ds(LANES * h, LANES)], 0, n - 1)
                rows = (lanes + LANES * h) * 4
                gx = plsc.load_gather(x_v, [iv]) - cxv
                plsc.store_scatter(out_v, [rows, splat_c], gx)
                gy = plsc.load_gather(y_v, [iv]) - cyv
                plsc.store_scatter(out_v, [rows + 1, splat_c], gy)
                gz = plsc.load_gather(z_v, [iv]) - czv
                plsc.store_scatter(out_v, [rows + 2, splat_c], gz)
                gf = plsc.load_gather(f_v, [iv])
                plsc.store_scatter(out_v, [rows + 3, splat_c], gf)
            return carry

        lax.fori_loop(0, cpw, per_centroid, jnp.int32(0))
        pltpu.sync_copy(out_v, out_hbm.at[b, :, pl.ds(k * cpw, cpw)])

    return bq


def _mlp_body(x_ref, w1_ref, b1_ref, w2_ref, b2_ref, w3_ref, b3_ref, o_ref):
    w1 = w1_ref[...]
    b1 = b1_ref[...]
    w2 = w2_ref[...]
    b2 = b2_ref[...]
    w3 = w3_ref[...]
    b3 = b3_ref[...]

    def chain(xj):
        h = jnp.maximum(
            jnp.dot(w1, xj, preferred_element_type=jnp.float32) + b1, 0.0)
        h = jnp.maximum(
            jnp.dot(w2, h, preferred_element_type=jnp.float32) + b2, 0.0)
        return jnp.maximum(
            jnp.dot(w3, h, preferred_element_type=jnp.float32) + b3, 0.0)

    def body(j2, acc):
        blk = x_ref[0, pl.ds(j2 * 8, 8), :]
        acc = jnp.maximum(acc, chain(blk[0:4]))
        return jnp.maximum(acc, chain(blk[4:8]))

    o_ref[0] = lax.fori_loop(
        0, NSAMPLE // 2, body, jnp.zeros((64, SBLK), jnp.float32))


def _mlp(h0, w1, b1, w2, b2, w3, b3):
    b_ = h0.shape[0]
    return pl.pallas_call(
        _mlp_body,
        grid=(b_, NPOINT // SBLK),
        in_specs=[
            pl.BlockSpec((1, 4 * NSAMPLE, SBLK), lambda b, s: (b, 0, s)),
            pl.BlockSpec((32, 4), lambda b, s: (0, 0)),
            pl.BlockSpec((32, 1), lambda b, s: (0, 0)),
            pl.BlockSpec((32, 32), lambda b, s: (0, 0)),
            pl.BlockSpec((32, 1), lambda b, s: (0, 0)),
            pl.BlockSpec((64, 32), lambda b, s: (0, 0)),
            pl.BlockSpec((64, 1), lambda b, s: (0, 0)),
        ],
        out_specs=pl.BlockSpec((1, 64, SBLK), lambda b, s: (b, 0, s)),
        out_shape=jax.ShapeDtypeStruct((b_, 64, NPOINT), jnp.float32),
    )(h0, w1, b1, w2, b2, w3, b3)


def kernel(xyz, features, W1, b1, W2, b2, W3, b3):
    b_, n, _ = xyz.shape
    xyz_t = jnp.transpose(xyz, (0, 2, 1))
    xyz_r = xyz_t.reshape(b_, 3, NROW, n // NROW)
    ox, oy, oz = _fps(xyz_r)
    ox, oy, oz = ox[:, 0], oy[:, 0], oz[:, 0]
    new_xyz = jnp.stack([ox, oy, oz], axis=-1)
    h0 = _make_ball_query(b_, n)(
        xyz_t[:, 0], xyz_t[:, 1], xyz_t[:, 2], features[:, 0], ox, oy, oz)
    nf_perm = _mlp(h0, W1, b1.reshape(32, 1), W2, b2.reshape(32, 1),
                   W3, b3.reshape(64, 1))
    wpb = 32 // b_
    new_features = (nf_perm.reshape(b_, 64, wpb, NPOINT // wpb)
                    .transpose(0, 1, 3, 2).reshape(b_, 64, NPOINT))
    return new_xyz, new_features

# --- scband reference (transcript-rebuilt; emitter-appended) ---
"""Pipeline reference for scband-pointnet-samodule-fsbase-48979807043953 (READ-ONLY COPY).

The authoritative reference and input builder live on the scoring server;
editing this copy changes nothing except your own understanding.
"""

import jax, jax.numpy as jnp
import numpy as np

B, N, C_IN = 4, 16384, 1
NPOINT = 1024
NSAMPLE = 32
RADIUS = 1.0


def setup_inputs(seed: int = 0):
    key = jax.random.key(seed)
    ks = jax.random.split(key, 8)
    xyz = jax.random.normal(ks[0], (B, N, 3), dtype=jnp.float32)
    features = jax.random.normal(ks[1], (B, C_IN, N), dtype=jnp.float32)
    c_in = 3 + C_IN
    W1 = jax.random.normal(ks[2], (32, c_in), dtype=jnp.float32) * 0.1
    b1 = jnp.zeros((32,), dtype=jnp.float32)
    W2 = jax.random.normal(ks[3], (32, 32), dtype=jnp.float32) * 0.1
    b2 = jnp.zeros((32,), dtype=jnp.float32)
    W3 = jax.random.normal(ks[4], (64, 32), dtype=jnp.float32) * 0.1
    b3 = jnp.zeros((64,), dtype=jnp.float32)
    return {"xyz": xyz, "features": features, "W1": W1, "b1": b1, "W2": W2, "b2": b2, "W3": W3, "b3": b3}


def gather_points(pts, idx):
    # pts: (B, N, C); idx: (B, ...) int -> (B, ..., C)
    return jax.vmap(lambda p, i: p[i])(pts, idx)


def furthest_point_sample(xyz, npoint):
    # xyz: (B, N, 3) -> (B, npoint) int32  (d-fps)
    b, n, _ = xyz.shape

    def body(i, state):
        dists, farthest, idxs = state
        idxs = idxs.at[:, i].set(farthest)
        centroid = jnp.take_along_axis(xyz, farthest[:, None, None], axis=1)  # (B,1,3)
        d = jnp.sum((xyz - centroid) ** 2, axis=-1)  # (B,N)
        dists = jnp.minimum(dists, d)
        farthest = jnp.argmax(dists, axis=-1).astype(jnp.int32)
        return (dists, farthest, idxs)

    dists = jnp.full((b, n), 1e10, dtype=jnp.float32)
    farthest = jnp.zeros((b,), dtype=jnp.int32)
    idxs = jnp.zeros((b, npoint), dtype=jnp.int32)
    _, _, idxs = jax.lax.fori_loop(0, npoint, body, (dists, farthest, idxs))
    return idxs


def ball_query(radius, nsample, xyz, new_xyz):
    # xyz: (B,N,3), new_xyz: (B,S,3) -> idx_cnt (B,S), group_idx (B,S,nsample)
    n = xyz.shape[1]
    sqrdists = jnp.sum((new_xyz[:, :, None, :] - xyz[:, None, :, :]) ** 2, axis=-1)  # (B,S,N)
    mask = sqrdists <= radius ** 2
    idx_cnt = jnp.sum(mask.astype(jnp.int32), axis=-1)
    ar = jnp.arange(n, dtype=jnp.int32)
    gidx = jnp.where(mask, ar[None, None, :], n)
    gidx = jnp.sort(gidx, axis=-1)[:, :, :nsample]
    first = gidx[:, :, :1]
    gidx = jnp.where(gidx == n, first, gidx)
    # clip in case a query point has zero neighbors (first would be N)
    gidx = jnp.clip(gidx, 0, n - 1)
    return idx_cnt, gidx


def reference(xyz, features, W1, b1, W2, b2, W3, b3):
    # d-fps sampling over full range [0, -1]
    fps_idx = furthest_point_sample(xyz, NPOINT)
    new_xyz = gather_points(xyz, fps_idx)  # (B, npoint, 3)
    # grouper: ball query + group (QueryAndGroup with use_xyz=True)
    idx_cnt, gidx = ball_query(RADIUS, NSAMPLE, xyz, new_xyz)
    grouped_xyz = gather_points(xyz, gidx) - new_xyz[:, :, None, :]  # (B,S,ns,3)
    feats_t = jnp.transpose(features, (0, 2, 1))  # (B,N,C)
    grouped_feats = gather_points(feats_t, gidx)  # (B,S,ns,C)
    h = jnp.concatenate([grouped_xyz, grouped_feats], axis=-1)  # (B,S,ns,3+C)
    # shared MLP (1x1 conv + relu stack)
    for W, b in ((W1, b1), (W2, b2), (W3, b3)):
        h = jax.nn.relu(jnp.einsum('bsnc,oc->bsno', h, W) + b)
    # mask out empty neighborhoods
    m = (idx_cnt > 0).astype(h.dtype)[:, :, None, None]
    h = h * m
    # max_pool over nsample
    pooled = jnp.max(h, axis=2)  # (B,S,Cout)
    new_features = jnp.transpose(pooled, (0, 2, 1))  # (B,Cout,S)
    return (new_xyz, new_features)

if __name__ == "__main__":
    import jax
    _d = setup_inputs()
    print(jax.jit(kernel)(*tuple(_d.values())))

</pallas_src>

<mosaic_0001>
#map = affine_map<(d0, d1) -> (0, 0)>
#map1 = affine_map<(d0, d1) -> (0, 0, 0)>
module attributes {stable_mosaic.version = 14 : i64} {
  func.func @bq(%arg0: i32, %arg1: i32, %arg2: memref<4x16384xf32, #tpu.memory_space<hbm>>, %arg3: memref<4x16384xf32, #tpu.memory_space<hbm>>, %arg4: memref<4x16384xf32, #tpu.memory_space<hbm>>, %arg5: memref<4x16384xf32, #tpu.memory_space<hbm>>, %arg6: memref<4x1024xf32, #tpu.memory_space<hbm>>, %arg7: memref<4x1024xf32, #tpu.memory_space<hbm>>, %arg8: memref<4x1024xf32, #tpu.memory_space<hbm>>, %arg9: memref<4x128x1024xf32, #tpu.memory_space<hbm>>, %arg10: memref<16384xf32, #tpu.memory_space<vmem>>, %arg11: memref<16384xf32, #tpu.memory_space<vmem>>, %arg12: memref<16384xf32, #tpu.memory_space<vmem>>, %arg13: memref<16384xf32, #tpu.memory_space<vmem>>, %arg14: memref<1024xf32, #tpu.memory_space<vmem>>, %arg15: memref<1024xf32, #tpu.memory_space<vmem>>, %arg16: memref<1024xf32, #tpu.memory_space<vmem>>, %arg17: memref<192xi32, #tpu.memory_space<vmem>>, %arg18: memref<128x128xf32, #tpu.memory_space<vmem>>) attributes {dimension_semantics = [#tpu.dimension_semantics<core_parallel>, #tpu.dimension_semantics<subcore_parallel>], iteration_bounds = array<i64: 2, 16>, scalar_prefetch = 0 : i64, scratch_operands = 9 : i64, tpu.core_type = #tpu.core_type<sc_vector_subcore>, window_params = [{transform_indices = #map}, {transform_indices = #map}, {transform_indices = #map}, {transform_indices = #map}, {transform_indices = #map}, {transform_indices = #map}, {transform_indices = #map}, {transform_indices = #map1}]} {
    %mul3A = arith.constant 2 : i32
    %mul3A_0 = arith.muli %arg1, %mul3A : i32
    %add3A = arith.addi %mul3A_0, %arg0 : i32
    %jit3A = arith.constant 8 : i32
    %div3A = arith.divsi %add3A, %jit3A : i32
    %sign3A = arith.constant 0 : i32
    %sign3A_1 = arith.cmpi sgt, %add3A, %sign3A : i32
    %sign3A_2 = arith.extui %sign3A_1 : i1 to i32
    %sign3A_3 = arith.constant 0 : i32
    %sign3A_4 = arith.cmpi slt, %add3A, %sign3A_3 : i32
    %sign3A_5 = arith.extui %sign3A_4 : i1 to i32
    %sign3A_6 = arith.subi %sign3A_2, %sign3A_5 : i32
    %sign3A_7 = arith.constant 0 : i32
    %sign3A_8 = arith.cmpi sgt, %jit3A, %sign3A_7 : i32
    %sign3A_9 = arith.extui %sign3A_8 : i1 to i32
    %sign3A_10 = arith.constant 0 : i32
    %sign3A_11 = arith.cmpi slt, %jit3A, %sign3A_10 : i32
    %sign3A_12 = arith.extui %sign3A_11 : i1 to i32
    %sign3A_13 = arith.subi %sign3A_9, %sign3A_12 : i32
    %ne3A = arith.cmpi ne, %sign3A_6, %sign3A_13 : i32
    %rem3A = arith.remsi %add3A, %jit3A : i32
    %ne3A_14 = arith.constant 0 : i32
    %ne3A_15 = arith.cmpi ne, %rem3A, %ne3A_14 : i32
    %and3A = arith.andi %ne3A, %ne3A_15 : i1
    %sub3A = arith.constant 1 : i32
    %sub3A_16 = arith.subi %div3A, %sub3A : i32
    %select_n3A = arith.select %and3A, %sub3A_16, %div3A : i32
    %jit3A_17 = arith.constant 8 : i32
    %eq3A = arith.constant 0 : i32
    %eq3A_18 = arith.cmpi eq, %jit3A_17, %eq3A : i32
    %jit3A_19 = arith.constant 1 : i32
    %select_n3A_20 = arith.select %eq3A_18, %jit3A_19, %jit3A_17 : i32
    %rem3A_21 = arith.remsi %add3A, %select_n3A_20 : i32
    %ne3A_22 = arith.constant 0 : i32
    %ne3A_23 = arith.cmpi ne, %rem3A_21, %ne3A_22 : i32
    %lt3A = arith.constant 0 : i32
    %lt3A_24 = arith.cmpi slt, %rem3A_21, %lt3A : i32
    %lt3A_25 = arith.constant 0 : i32
    %lt3A_26 = arith.cmpi slt, %select_n3A_20, %lt3A_25 : i32
    %ne3A_27 = arith.xori %lt3A_24, %lt3A_26 : i1
    %and3A_28 = arith.andi %ne3A_27, %ne3A_23 : i1
    %add3A_29 = arith.addi %rem3A_21, %select_n3A_20 : i32
    %select_n3A_30 = arith.select %and3A_28, %add3A_29, %rem3A_21 : i32
    "tpu.region"() ({
      %run_scoped3A = tpu.sem_alloc : memref<!tpu.dma_semaphore, #tpu.memory_space<semaphore_mem>>
      %dma_start3A = arith.constant 0 : i32
      %dma_start3A_38 = tpu.memref_slice %arg2[%select_n3A, %dma_start3A] : memref<4x16384xf32, #tpu.memory_space<hbm>> -> memref<1x16384xf32, #tpu.memory_space<hbm>>
      %dma_start3A_39 = tpu.memref_squeeze %dma_start3A_38 : memref<1x16384xf32, #tpu.memory_space<hbm>> -> memref<16384xf32, #tpu.memory_space<hbm>>
      %dma_start3A_40 = arith.constant 0 : i32
      %dma_start3A_41 = tpu.memref_slice %arg2[%select_n3A, %dma_start3A_40] : memref<4x16384xf32, #tpu.memory_space<hbm>> -> memref<1x16384xf32, #tpu.memory_space<hbm>>
      %dma_start3A_42 = tpu.memref_squeeze %dma_start3A_41 : memref<1x16384xf32, #tpu.memory_space<hbm>> -> memref<16384xf32, #tpu.memory_space<hbm>>
      tpu.enqueue_dma source(%dma_start3A_42 : memref<16384xf32, #tpu.memory_space<hbm>>) target(%arg10 : memref<16384xf32, #tpu.memory_space<vmem>>) target_semaphore(%run_scoped3A : memref<!tpu.dma_semaphore, #tpu.memory_space<semaphore_mem>>)
      %dma_wait3A = arith.constant 0 : i32
      %dma_wait3A_43 = tpu.memref_slice %arg2[%select_n3A, %dma_wait3A] : memref<4x16384xf32, #tpu.memory_space<hbm>> -> memref<1x16384xf32, #tpu.memory_space<hbm>>
      %dma_wait3A_44 = tpu.memref_squeeze %dma_wait3A_43 : memref<1x16384xf32, #tpu.memory_space<hbm>> -> memref<16384xf32, #tpu.memory_space<hbm>>
      %dma_wait3A_45 = arith.constant 0 : i32
      %dma_wait3A_46 = tpu.memref_slice %arg2[%select_n3A, %dma_wait3A_45] : memref<4x16384xf32, #tpu.memory_space<hbm>> -> memref<1x16384xf32, #tpu.memory_space<hbm>>
      %dma_wait3A_47 = tpu.memref_squeeze %dma_wait3A_46 : memref<1x16384xf32, #tpu.memory_space<hbm>> -> memref<16384xf32, #tpu.memory_space<hbm>>
      tpu.wait_dma2 semaphore(%run_scoped3A : memref<!tpu.dma_semaphore, #tpu.memory_space<semaphore_mem>>) src(%dma_wait3A_47 : memref<16384xf32, #tpu.memory_space<hbm>>) dst(%arg10 : memref<16384xf32, #tpu.memory_space<vmem>>)
      tpu.yield
    }) : () -> ()
    "tpu.region"() ({
      %run_scoped3A = tpu.sem_alloc : memref<!tpu.dma_semaphore, #tpu.memory_space<semaphore_mem>>
      %dma_start3A = arith.constant 0 : i32
      %dma_start3A_38 = tpu.memref_slice %arg3[%select_n3A, %dma_start3A] : memref<4x16384xf32, #tpu.memory_space<hbm>> -> memref<1x16384xf32, #tpu.memory_space<hbm>>
      %dma_start3A_39 = tpu.memref_squeeze %dma_start3A_38 : memref<1x16384xf32, #tpu.memory_space<hbm>> -> memref<16384xf32, #tpu.memory_space<hbm>>
      %dma_start3A_40 = arith.constant 0 : i32
      %dma_start3A_41 = tpu.memref_slice %arg3[%select_n3A, %dma_start3A_40] : memref<4x16384xf32, #tpu.memory_space<hbm>> -> memref<1x16384xf32, #tpu.memory_space<hbm>>
      %dma_start3A_42 = tpu.memref_squeeze %dma_start3A_41 : memref<1x16384xf32, #tpu.memory_space<hbm>> -> memref<16384xf32, #tpu.memory_space<hbm>>
      tpu.enqueue_dma source(%dma_start3A_42 : memref<16384xf32, #tpu.memory_space<hbm>>) target(%arg11 : memref<16384xf32, #tpu.memory_space<vmem>>) target_semaphore(%run_scoped3A : memref<!tpu.dma_semaphore, #tpu.memory_space<semaphore_mem>>)
      %dma_wait3A = arith.constant 0 : i32
      %dma_wait3A_43 = tpu.memref_slice %arg3[%select_n3A, %dma_wait3A] : memref<4x16384xf32, #tpu.memory_space<hbm>> -> memref<1x16384xf32, #tpu.memory_space<hbm>>
      %dma_wait3A_44 = tpu.memref_squeeze %dma_wait3A_43 : memref<1x16384xf32, #tpu.memory_space<hbm>> -> memref<16384xf32, #tpu.memory_space<hbm>>
      %dma_wait3A_45 = arith.constant 0 : i32
      %dma_wait3A_46 = tpu.memref_slice %arg3[%select_n3A, %dma_wait3A_45] : memref<4x16384xf32, #tpu.memory_space<hbm>> -> memref<1x16384xf32, #tpu.memory_space<hbm>>
      %dma_wait3A_47 = tpu.memref_squeeze %dma_wait3A_46 : memref<1x16384xf32, #tpu.memory_space<hbm>> -> memref<16384xf32, #tpu.memory_space<hbm>>
      tpu.wait_dma2 semaphore(%run_scoped3A : memref<!tpu.dma_semaphore, #tpu.memory_space<semaphore_mem>>) src(%dma_wait3A_47 : memref<16384xf32, #tpu.memory_space<hbm>>) dst(%arg11 : memref<16384xf32, #tpu.memory_space<vmem>>)
      tpu.yield
    }) : () -> ()
    "tpu.region"() ({
      %run_scoped3A = tpu.sem_alloc : memref<!tpu.dma_semaphore, #tpu.memory_space<semaphore_mem>>
      %dma_start3A = arith.constant 0 : i32
      %dma_start3A_38 = tpu.memref_slice %arg4[%select_n3A, %dma_start3A] : memref<4x16384xf32, #tpu.memory_space<hbm>> -> memref<1x16384xf32, #tpu.memory_space<hbm>>
      %dma_start3A_39 = tpu.memref_squeeze %dma_start3A_38 : memref<1x16384xf32, #tpu.memory_space<hbm>> -> memref<16384xf32, #tpu.memory_space<hbm>>
      %dma_start3A_40 = arith.constant 0 : i32
      %dma_start3A_41 = tpu.memref_slice %arg4[%select_n3A, %dma_start3A_40] : memref<4x16384xf32, #tpu.memory_space<hbm>> -> memref<1x16384xf32, #tpu.memory_space<hbm>>
      %dma_start3A_42 = tpu.memref_squeeze %dma_start3A_41 : memref<1x16384xf32, #tpu.memory_space<hbm>> -> memref<16384xf32, #tpu.memory_space<hbm>>
      tpu.enqueue_dma source(%dma_start3A_42 : memref<16384xf32, #tpu.memory_space<hbm>>) target(%arg12 : memref<16384xf32, #tpu.memory_space<vmem>>) target_semaphore(%run_scoped3A : memref<!tpu.dma_semaphore, #tpu.memory_space<semaphore_mem>>)
      %dma_wait3A = arith.constant 0 : i32
      %dma_wait3A_43 = tpu.memref_slice %arg4[%select_n3A, %dma_wait3A] : memref<4x16384xf32, #tpu.memory_space<hbm>> -> memref<1x16384xf32, #tpu.memory_space<hbm>>
      %dma_wait3A_44 = tpu.memref_squeeze %dma_wait3A_43 : memref<1x16384xf32, #tpu.memory_space<hbm>> -> memref<16384xf32, #tpu.memory_space<hbm>>
      %dma_wait3A_45 = arith.constant 0 : i32
      %dma_wait3A_46 = tpu.memref_slice %arg4[%select_n3A, %dma_wait3A_45] : memref<4x16384xf32, #tpu.memory_space<hbm>> -> memref<1x16384xf32, #tpu.memory_space<hbm>>
      %dma_wait3A_47 = tpu.memref_squeeze %dma_wait3A_46 : memref<1x16384xf32, #tpu.memory_space<hbm>> -> memref<16384xf32, #tpu.memory_space<hbm>>
      tpu.wait_dma2 semaphore(%run_scoped3A : memref<!tpu.dma_semaphore, #tpu.memory_space<semaphore_mem>>) src(%dma_wait3A_47 : memref<16384xf32, #tpu.memory_space<hbm>>) dst(%arg12 : memref<16384xf32, #tpu.memory_space<vmem>>)
      tpu.yield
    }) : () -> ()
    "tpu.region"() ({
      %run_scoped3A = tpu.sem_alloc : memref<!tpu.dma_semaphore, #tpu.memory_space<semaphore_mem>>
      %dma_start3A = arith.constant 0 : i32
      %dma_start3A_38 = tpu.memref_slice %arg5[%select_n3A, %dma_start3A] : memref<4x16384xf32, #tpu.memory_space<hbm>> -> memref<1x16384xf32, #tpu.memory_space<hbm>>
      %dma_start3A_39 = tpu.memref_squeeze %dma_start3A_38 : memref<1x16384xf32, #tpu.memory_space<hbm>> -> memref<16384xf32, #tpu.memory_space<hbm>>
      %dma_start3A_40 = arith.constant 0 : i32
      %dma_start3A_41 = tpu.memref_slice %arg5[%select_n3A, %dma_start3A_40] : memref<4x16384xf32, #tpu.memory_space<hbm>> -> memref<1x16384xf32, #tpu.memory_space<hbm>>
      %dma_start3A_42 = tpu.memref_squeeze %dma_start3A_41 : memref<1x16384xf32, #tpu.memory_space<hbm>> -> memref<16384xf32, #tpu.memory_space<hbm>>
      tpu.enqueue_dma source(%dma_start3A_42 : memref<16384xf32, #tpu.memory_space<hbm>>) target(%arg13 : memref<16384xf32, #tpu.memory_space<vmem>>) target_semaphore(%run_scoped3A : memref<!tpu.dma_semaphore, #tpu.memory_space<semaphore_mem>>)
      %dma_wait3A = arith.constant 0 : i32
      %dma_wait3A_43 = tpu.memref_slice %arg5[%select_n3A, %dma_wait3A] : memref<4x16384xf32, #tpu.memory_space<hbm>> -> memref<1x16384xf32, #tpu.memory_space<hbm>>
      %dma_wait3A_44 = tpu.memref_squeeze %dma_wait3A_43 : memref<1x16384xf32, #tpu.memory_space<hbm>> -> memref<16384xf32, #tpu.memory_space<hbm>>
      %dma_wait3A_45 = arith.constant 0 : i32
      %dma_wait3A_46 = tpu.memref_slice %arg5[%select_n3A, %dma_wait3A_45] : memref<4x16384xf32, #tpu.memory_space<hbm>> -> memref<1x16384xf32, #tpu.memory_space<hbm>>
      %dma_wait3A_47 = tpu.memref_squeeze %dma_wait3A_46 : memref<1x16384xf32, #tpu.memory_space<hbm>> -> memref<16384xf32, #tpu.memory_space<hbm>>
      tpu.wait_dma2 semaphore(%run_scoped3A : memref<!tpu.dma_semaphore, #tpu.memory_space<semaphore_mem>>) src(%dma_wait3A_47 : memref<16384xf32, #tpu.memory_space<hbm>>) dst(%arg13 : memref<16384xf32, #tpu.memory_space<vmem>>)
      tpu.yield
    }) : () -> ()
    "tpu.region"() ({
      %run_scoped3A = tpu.sem_alloc : memref<!tpu.dma_semaphore, #tpu.memory_space<semaphore_mem>>
      %dma_start3A = arith.constant 0 : i32
      %dma_start3A_38 = tpu.memref_slice %arg6[%select_n3A, %dma_start3A] : memref<4x1024xf32, #tpu.memory_space<hbm>> -> memref<1x1024xf32, #tpu.memory_space<hbm>>
      %dma_start3A_39 = tpu.memref_squeeze %dma_start3A_38 : memref<1x1024xf32, #tpu.memory_space<hbm>> -> memref<1024xf32, #tpu.memory_space<hbm>>
      %dma_start3A_40 = arith.constant 0 : i32
      %dma_start3A_41 = tpu.memref_slice %arg6[%select_n3A, %dma_start3A_40] : memref<4x1024xf32, #tpu.memory_space<hbm>> -> memref<1x1024xf32, #tpu.memory_space<hbm>>
      %dma_start3A_42 = tpu.memref_squeeze %dma_start3A_41 : memref<1x1024xf32, #tpu.memory_space<hbm>> -> memref<1024xf32, #tpu.memory_space<hbm>>
      tpu.enqueue_dma source(%dma_start3A_42 : memref<1024xf32, #tpu.memory_space<hbm>>) target(%arg14 : memref<1024xf32, #tpu.memory_space<vmem>>) target_semaphore(%run_scoped3A : memref<!tpu.dma_semaphore, #tpu.memory_space<semaphore_mem>>)
      %dma_wait3A = arith.constant 0 : i32
      %dma_wait3A_43 = tpu.memref_slice %arg6[%select_n3A, %dma_wait3A] : memref<4x1024xf32, #tpu.memory_space<hbm>> -> memref<1x1024xf32, #tpu.memory_space<hbm>>
      %dma_wait3A_44 = tpu.memref_squeeze %dma_wait3A_43 : memref<1x1024xf32, #tpu.memory_space<hbm>> -> memref<1024xf32, #tpu.memory_space<hbm>>
      %dma_wait3A_45 = arith.constant 0 : i32
      %dma_wait3A_46 = tpu.memref_slice %arg6[%select_n3A, %dma_wait3A_45] : memref<4x1024xf32, #tpu.memory_space<hbm>> -> memref<1x1024xf32, #tpu.memory_space<hbm>>
      %dma_wait3A_47 = tpu.memref_squeeze %dma_wait3A_46 : memref<1x1024xf32, #tpu.memory_space<hbm>> -> memref<1024xf32, #tpu.memory_space<hbm>>
      tpu.wait_dma2 semaphore(%run_scoped3A : memref<!tpu.dma_semaphore, #tpu.memory_space<semaphore_mem>>) src(%dma_wait3A_47 : memref<1024xf32, #tpu.memory_space<hbm>>) dst(%arg14 : memref<1024xf32, #tpu.memory_space<vmem>>)
      tpu.yield
    }) : () -> ()
    "tpu.region"() ({
      %run_scoped3A = tpu.sem_alloc : memref<!tpu.dma_semaphore, #tpu.memory_space<semaphore_mem>>
      %dma_start3A = arith.constant 0 : i32
      %dma_start3A_38 = tpu.memref_slice %arg7[%select_n3A, %dma_start3A] : memref<4x1024xf32, #tpu.memory_space<hbm>> -> memref<1x1024xf32, #tpu.memory_space<hbm>>
      %dma_start3A_39 = tpu.memref_squeeze %dma_start3A_38 : memref<1x1024xf32, #tpu.memory_space<hbm>> -> memref<1024xf32, #tpu.memory_space<hbm>>
      %dma_start3A_40 = arith.constant 0 : i32
      %dma_start3A_41 = tpu.memref_slice %arg7[%select_n3A, %dma_start3A_40] : memref<4x1024xf32, #tpu.memory_space<hbm>> -> memref<1x1024xf32, #tpu.memory_space<hbm>>
      %dma_start3A_42 = tpu.memref_squeeze %dma_start3A_41 : memref<1x1024xf32, #tpu.memory_space<hbm>> -> memref<1024xf32, #tpu.memory_space<hbm>>
      tpu.enqueue_dma source(%dma_start3A_42 : memref<1024xf32, #tpu.memory_space<hbm>>) target(%arg15 : memref<1024xf32, #tpu.memory_space<vmem>>) target_semaphore(%run_scoped3A : memref<!tpu.dma_semaphore, #tpu.memory_space<semaphore_mem>>)
      %dma_wait3A = arith.constant 0 : i32
      %dma_wait3A_43 = tpu.memref_slice %arg7[%select_n3A, %dma_wait3A] : memref<4x1024xf32, #tpu.memory_space<hbm>> -> memref<1x1024xf32, #tpu.memory_space<hbm>>
      %dma_wait3A_44 = tpu.memref_squeeze %dma_wait3A_43 : memref<1x1024xf32, #tpu.memory_space<hbm>> -> memref<1024xf32, #tpu.memory_space<hbm>>
      %dma_wait3A_45 = arith.constant 0 : i32
      %dma_wait3A_46 = tpu.memref_slice %arg7[%select_n3A, %dma_wait3A_45] : memref<4x1024xf32, #tpu.memory_space<hbm>> -> memref<1x1024xf32, #tpu.memory_space<hbm>>
      %dma_wait3A_47 = tpu.memref_squeeze %dma_wait3A_46 : memref<1x1024xf32, #tpu.memory_space<hbm>> -> memref<1024xf32, #tpu.memory_space<hbm>>
      tpu.wait_dma2 semaphore(%run_scoped3A : memref<!tpu.dma_semaphore, #tpu.memory_space<semaphore_mem>>) src(%dma_wait3A_47 : memref<1024xf32, #tpu.memory_space<hbm>>) dst(%arg15 : memref<1024xf32, #tpu.memory_space<vmem>>)
      tpu.yield
    }) : () -> ()
    "tpu.region"() ({
      %run_scoped3A = tpu.sem_alloc : memref<!tpu.dma_semaphore, #tpu.memory_space<semaphore_mem>>
      %dma_start3A = arith.constant 0 : i32
      %dma_start3A_38 = tpu.memref_slice %arg8[%select_n3A, %dma_start3A] : memref<4x1024xf32, #tpu.memory_space<hbm>> -> memref<1x1024xf32, #tpu.memory_space<hbm>>
      %dma_start3A_39 = tpu.memref_squeeze %dma_start3A_38 : memref<1x1024xf32, #tpu.memory_space<hbm>> -> memref<1024xf32, #tpu.memory_space<hbm>>
      %dma_start3A_40 = arith.constant 0 : i32
      %dma_start3A_41 = tpu.memref_slice %arg8[%select_n3A, %dma_start3A_40] : memref<4x1024xf32, #tpu.memory_space<hbm>> -> memref<1x1024xf32, #tpu.memory_space<hbm>>
      %dma_start3A_42 = tpu.memref_squeeze %dma_start3A_41 : memref<1x1024xf32, #tpu.memory_space<hbm>> -> memref<1024xf32, #tpu.memory_space<hbm>>
      tpu.enqueue_dma source(%dma_start3A_42 : memref<1024xf32, #tpu.memory_space<hbm>>) target(%arg16 : memref<1024xf32, #tpu.memory_space<vmem>>) target_semaphore(%run_scoped3A : memref<!tpu.dma_semaphore, #tpu.memory_space<semaphore_mem>>)
      %dma_wait3A = arith.constant 0 : i32
      %dma_wait3A_43 = tpu.memref_slice %arg8[%select_n3A, %dma_wait3A] : memref<4x1024xf32, #tpu.memory_space<hbm>> -> memref<1x1024xf32, #tpu.memory_space<hbm>>
      %dma_wait3A_44 = tpu.memref_squeeze %dma_wait3A_43 : memref<1x1024xf32, #tpu.memory_space<hbm>> -> memref<1024xf32, #tpu.memory_space<hbm>>
      %dma_wait3A_45 = arith.constant 0 : i32
      %dma_wait3A_46 = tpu.memref_slice %arg8[%select_n3A, %dma_wait3A_45] : memref<4x1024xf32, #tpu.memory_space<hbm>> -> memref<1x1024xf32, #tpu.memory_space<hbm>>
      %dma_wait3A_47 = tpu.memref_squeeze %dma_wait3A_46 : memref<1x1024xf32, #tpu.memory_space<hbm>> -> memref<1024xf32, #tpu.memory_space<hbm>>
      tpu.wait_dma2 semaphore(%run_scoped3A : memref<!tpu.dma_semaphore, #tpu.memory_space<semaphore_mem>>) src(%dma_wait3A_47 : memref<1024xf32, #tpu.memory_space<hbm>>) dst(%arg16 : memref<1024xf32, #tpu.memory_space<vmem>>)
      tpu.yield
    }) : () -> ()
    %iota3A = tpu.iota {dimensions = array<i32: 0>} : vector<16xi32>
    %scan3A = arith.constant 0 : i32
    %scan3A_31 = arith.constant 0 : i32
    %scan3A_32 = arith.constant 128 : i32
    %scan3A_33 = arith.addi %scan3A_31, %scan3A_32 : i32
    %scan3A_34 = arith.constant 1 : i32
    scf.for %scan3A_38 = %scan3A_31 to %scan3A_33 step %scan3A_34  : i32 {
      %mul3A_39 = arith.constant 8 : i32
      %mul3A_40 = arith.muli %scan3A_38, %mul3A_39 : i32
      %add3A_41 = arith.addi %mul3A_40, %select_n3A_30 : i32
      %broadcast_in_dim3A = vector.broadcast %add3A_41 : i32 to vector<16xi32>
      %gather3A = tpu.vector_load_idx %arg14[%broadcast_in_dim3A] : memref<1024xf32, #tpu.memory_space<vmem>>[vector<16xi32>], vector<16xf32>,
      %gather3A_42 = tpu.vector_load_idx %arg15[%broadcast_in_dim3A] : memref<1024xf32, #tpu.memory_space<vmem>>[vector<16xi32>], vector<16xf32>,
      %gather3A_43 = tpu.vector_load_idx %arg16[%broadcast_in_dim3A] : memref<1024xf32, #tpu.memory_space<vmem>>[vector<16xi32>], vector<16xf32>,
      %while3A = arith.constant 0 : i32
      %while3A_44 = arith.constant 0 : i32
      %while3A_45:2 = scf.while (%while3A_138 = %while3A, %while3A_139 = %while3A_44) : (i32, i32) -> (i32, i32) {
        %lt3A_140 = arith.constant 32 : i32
        %lt3A_141 = arith.cmpi slt, %while3A_139, %lt3A_140 : i32
        %lt3A_142 = arith.constant 1024 : i32
        %lt3A_143 = arith.cmpi slt, %while3A_138, %lt3A_142 : i32
        %and3A_144 = arith.andi %lt3A_141, %lt3A_143 : i1
        scf.condition(%and3A_144) %while3A_138, %while3A_139 : i32, i32
      } do {
      ^bb0(%while3A_138: i32, %while3A_139: i32):
        %broadcast_in_dim3A_140 = arith.constant 0 : i32
        %broadcast_in_dim3A_141 = vector.broadcast %broadcast_in_dim3A_140 : i32 to vector<16xi32>
        %add3A_142 = arith.constant 0 : i32
        %add3A_143 = arith.addi %while3A_138, %add3A_142 : i32
        %mul3A_144 = arith.constant 16 : i32
        %mul3A_145 = arith.muli %add3A_143, %mul3A_144 : i32
        %get3A_146 = arith.index_cast %mul3A_145 : i32 to index
        %get3A_147 = tpu.vector_load %arg10[%get3A_146] {strides = array<i32>} : memref<16384xf32, #tpu.memory_space<vmem>>, vector<16xf32>,
        %get3A_148 = arith.index_cast %mul3A_145 : i32 to index
        %get3A_149 = tpu.vector_load %arg11[%get3A_148] {strides = array<i32>} : memref<16384xf32, #tpu.memory_space<vmem>>, vector<16xf32>,
        %get3A_150 = arith.index_cast %mul3A_145 : i32 to index
        %get3A_151 = tpu.vector_load %arg12[%get3A_150] {strides = array<i32>} : memref<16384xf32, #tpu.memory_space<vmem>>, vector<16xf32>,
        %sub3A_152 = arith.subf %get3A_147, %gather3A : vector<16xf32>
        %sub3A_153 = arith.subf %get3A_149, %gather3A_42 : vector<16xf32>
        %sub3A_154 = arith.subf %get3A_151, %gather3A_43 : vector<16xf32>
        %mul3A_155 = arith.mulf %sub3A_152, %sub3A_152 : vector<16xf32>
        %mul3A_156 = arith.mulf %sub3A_153, %sub3A_153 : vector<16xf32>
        %add3A_157 = arith.addf %mul3A_155, %mul3A_156 : vector<16xf32>
        %mul3A_158 = arith.mulf %sub3A_154, %sub3A_154 : vector<16xf32>
        %add3A_159 = arith.addf %add3A_157, %mul3A_158 : vector<16xf32>
        %le3A = arith.constant 1.000000e+00 : f32
        %le3A_160 = vector.broadcast %le3A : f32 to vector<16xf32>
        %le3A_161 = arith.cmpf ole, %add3A_159, %le3A_160 : vector<16xf32>
        %all_reduce_population_count3A = tpu.all_reduce %le3A_161 {dim = 0 : i64, kind = #tpu.reduction_kind<sum>} : vector<16xi1> -> vector<16xi32>
        %shift_left3A = arith.constant 0 : i32
        %shift_left3A_162 = vector.broadcast %shift_left3A : i32 to vector<16xi32>
        %shift_left3A_163 = arith.shli %all_reduce_population_count3A, %shift_left3A_162 : vector<16xi32>
        %add3A_164 = arith.addi %broadcast_in_dim3A_141, %shift_left3A_163 : vector<16xi32>
        %add3A_165 = arith.constant 1 : i32
        %add3A_166 = arith.addi %while3A_138, %add3A_165 : i32
        %mul3A_167 = arith.constant 16 : i32
        %mul3A_168 = arith.muli %add3A_166, %mul3A_167 : i32
        %get3A_169 = arith.index_cast %mul3A_168 : i32 to index
        %get3A_170 = tpu.vector_load %arg10[%get3A_169] {strides = array<i32>} : memref<16384xf32, #tpu.memory_space<vmem>>, vector<16xf32>,
        %get3A_171 = arith.index_cast %mul3A_168 : i32 to index
        %get3A_172 = tpu.vector_load %arg11[%get3A_171] {strides = array<i32>} : memref<16384xf32, #tpu.memory_space<vmem>>, vector<16xf32>,
        %get3A_173 = arith.index_cast %mul3A_168 : i32 to index
        %get3A_174 = tpu.vector_load %arg12[%get3A_173] {strides = array<i32>} : memref<16384xf32, #tpu.memory_space<vmem>>, vector<16xf32>,
        %sub3A_175 = arith.subf %get3A_170, %gather3A : vector<16xf32>
        %sub3A_176 = arith.subf %get3A_172, %gather3A_42 : vector<16xf32>
        %sub3A_177 = arith.subf %get3A_174, %gather3A_43 : vector<16xf32>
        %mul3A_178 = arith.mulf %sub3A_175, %sub3A_175 : vector<16xf32>
        %mul3A_179 = arith.mulf %sub3A_176, %sub3A_176 : vector<16xf32>
        %add3A_180 = arith.addf %mul3A_178, %mul3A_179 : vector<16xf32>
        %mul3A_181 = arith.mulf %sub3A_177, %sub3A_177 : vector<16xf32>
        %add3A_182 = arith.addf %add3A_180, %mul3A_181 : vector<16xf32>
        %le3A_183 = arith.constant 1.000000e+00 : f32
        %le3A_184 = vector.broadcast %le3A_183 : f32 to vector<16xf32>
        %le3A_185 = arith.cmpf ole, %add3A_182, %le3A_184 : vector<16xf32>
        %all_reduce_population_count3A_186 = tpu.all_reduce %le3A_185 {dim = 0 : i64, kind = #tpu.reduction_kind<sum>} : vector<16xi1> -> vector<16xi32>
        %shift_left3A_187 = arith.constant 8 : i32
        %shift_left3A_188 = vector.broadcast %shift_left3A_187 : i32 to vector<16xi32>
        %shift_left3A_189 = arith.shli %all_reduce_population_count3A_186, %shift_left3A_188 : vector<16xi32>
        %add3A_190 = arith.addi %add3A_164, %shift_left3A_189 : vector<16xi32>
        %add3A_191 = arith.constant 2 : i32
        %add3A_192 = arith.addi %while3A_138, %add3A_191 : i32
        %mul3A_193 = arith.constant 16 : i32
        %mul3A_194 = arith.muli %add3A_192, %mul3A_193 : i32
        %get3A_195 = arith.index_cast %mul3A_194 : i32 to index
        %get3A_196 = tpu.vector_load %arg10[%get3A_195] {strides = array<i32>} : memref<16384xf32, #tpu.memory_space<vmem>>, vector<16xf32>,
        %get3A_197 = arith.index_cast %mul3A_194 : i32 to index
        %get3A_198 = tpu.vector_load %arg11[%get3A_197] {strides = array<i32>} : memref<16384xf32, #tpu.memory_space<vmem>>, vector<16xf32>,
        %get3A_199 = arith.index_cast %mul3A_194 : i32 to index
        %get3A_200 = tpu.vector_load %arg12[%get3A_199] {strides = array<i32>} : memref<16384xf32, #tpu.memory_space<vmem>>, vector<16xf32>,
        %sub3A_201 = arith.subf %get3A_196, %gather3A : vector<16xf32>
        %sub3A_202 = arith.subf %get3A_198, %gather3A_42 : vector<16xf32>
        %sub3A_203 = arith.subf %get3A_200, %gather3A_43 : vector<16xf32>
        %mul3A_204 = arith.mulf %sub3A_201, %sub3A_201 : vector<16xf32>
        %mul3A_205 = arith.mulf %sub3A_202, %sub3A_202 : vector<16xf32>
        %add3A_206 = arith.addf %mul3A_204, %mul3A_205 : vector<16xf32>
        %mul3A_207 = arith.mulf %sub3A_203, %sub3A_203 : vector<16xf32>
        %add3A_208 = arith.addf %add3A_206, %mul3A_207 : vector<16xf32>
        %le3A_209 = arith.constant 1.000000e+00 : f32
        %le3A_210 = vector.broadcast %le3A_209 : f32 to vector<16xf32>
        %le3A_211 = arith.cmpf ole, %add3A_208, %le3A_210 : vector<16xf32>
        %all_reduce_population_count3A_212 = tpu.all_reduce %le3A_211 {dim = 0 : i64, kind = #tpu.reduction_kind<sum>} : vector<16xi1> -> vector<16xi32>
        %shift_left3A_213 = arith.constant 16 : i32
        %shift_left3A_214 = vector.broadcast %shift_left3A_213 : i32 to vector<16xi32>
        %shift_left3A_215 = arith.shli %all_reduce_population_count3A_212, %shift_left3A_214 : vector<16xi32>
        %add3A_216 = arith.addi %add3A_190, %shift_left3A_215 : vector<16xi32>
        %add3A_217 = arith.constant 3 : i32
        %add3A_218 = arith.addi %while3A_138, %add3A_217 : i32
        %mul3A_219 = arith.constant 16 : i32
        %mul3A_220 = arith.muli %add3A_218, %mul3A_219 : i32
        %get3A_221 = arith.index_cast %mul3A_220 : i32 to index
        %get3A_222 = tpu.vector_load %arg10[%get3A_221] {strides = array<i32>} : memref<16384xf32, #tpu.memory_space<vmem>>, vector<16xf32>,
        %get3A_223 = arith.index_cast %mul3A_220 : i32 to index
        %get3A_224 = tpu.vector_load %arg11[%get3A_223] {strides = array<i32>} : memref<16384xf32, #tpu.memory_space<vmem>>, vector<16xf32>,
        %get3A_225 = arith.index_cast %mul3A_220 : i32 to index
        %get3A_226 = tpu.vector_load %arg12[%get3A_225] {strides = array<i32>} : memref<16384xf32, #tpu.memory_space<vmem>>, vector<16xf32>,
        %sub3A_227 = arith.subf %get3A_222, %gather3A : vector<16xf32>
        %sub3A_228 = arith.subf %get3A_224, %gather3A_42 : vector<16xf32>
        %sub3A_229 = arith.subf %get3A_226, %gather3A_43 : vector<16xf32>
        %mul3A_230 = arith.mulf %sub3A_227, %sub3A_227 : vector<16xf32>
        %mul3A_231 = arith.mulf %sub3A_228, %sub3A_228 : vector<16xf32>
        %add3A_232 = arith.addf %mul3A_230, %mul3A_231 : vector<16xf32>
        %mul3A_233 = arith.mulf %sub3A_229, %sub3A_229 : vector<16xf32>
        %add3A_234 = arith.addf %add3A_232, %mul3A_233 : vector<16xf32>
        %le3A_235 = arith.constant 1.000000e+00 : f32
        %le3A_236 = vector.broadcast %le3A_235 : f32 to vector<16xf32>
        %le3A_237 = arith.cmpf ole, %add3A_234, %le3A_236 : vector<16xf32>
        %all_reduce_population_count3A_238 = tpu.all_reduce %le3A_237 {dim = 0 : i64, kind = #tpu.reduction_kind<sum>} : vector<16xi1> -> vector<16xi32>
        %shift_left3A_239 = arith.constant 24 : i32
        %shift_left3A_240 = vector.broadcast %shift_left3A_239 : i32 to vector<16xi32>
        %shift_left3A_241 = arith.shli %all_reduce_population_count3A_238, %shift_left3A_240 : vector<16xi32>
        %add3A_242 = arith.addi %add3A_216, %shift_left3A_241 : vector<16xi32>
        %broadcast_in_dim3A_243 = arith.constant 0 : i32
        %broadcast_in_dim3A_244 = vector.broadcast %broadcast_in_dim3A_243 : i32 to vector<16xi32>
        %add3A_245 = arith.constant 4 : i32
        %add3A_246 = arith.addi %while3A_138, %add3A_245 : i32
        %mul3A_247 = arith.constant 16 : i32
        %mul3A_248 = arith.muli %add3A_246, %mul3A_247 : i32
        %get3A_249 = arith.index_cast %mul3A_248 : i32 to index
        %get3A_250 = tpu.vector_load %arg10[%get3A_249] {strides = array<i32>} : memref<16384xf32, #tpu.memory_space<vmem>>, vector<16xf32>,
        %get3A_251 = arith.index_cast %mul3A_248 : i32 to index
        %get3A_252 = tpu.vector_load %arg11[%get3A_251] {strides = array<i32>} : memref<16384xf32, #tpu.memory_space<vmem>>, vector<16xf32>,
        %get3A_253 = arith.index_cast %mul3A_248 : i32 to index
        %get3A_254 = tpu.vector_load %arg12[%get3A_253] {strides = array<i32>} : memref<16384xf32, #tpu.memory_space<vmem>>, vector<16xf32>,
        %sub3A_255 = arith.subf %get3A_250, %gather3A : vector<16xf32>
        %sub3A_256 = arith.subf %get3A_252, %gather3A_42 : vector<16xf32>
        %sub3A_257 = arith.subf %get3A_254, %gather3A_43 : vector<16xf32>
        %mul3A_258 = arith.mulf %sub3A_255, %sub3A_255 : vector<16xf32>
        %mul3A_259 = arith.mulf %sub3A_256, %sub3A_256 : vector<16xf32>
        %add3A_260 = arith.addf %mul3A_258, %mul3A_259 : vector<16xf32>
        %mul3A_261 = arith.mulf %sub3A_257, %sub3A_257 : vector<16xf32>
        %add3A_262 = arith.addf %add3A_260, %mul3A_261 : vector<16xf32>
        %le3A_263 = arith.constant 1.000000e+00 : f32
        %le3A_264 = vector.broadcast %le3A_263 : f32 to vector<16xf32>
        %le3A_265 = arith.cmpf ole, %add3A_262, %le3A_264 : vector<16xf32>
        %all_reduce_population_count3A_266 = tpu.all_reduce %le3A_265 {dim = 0 : i64, kind = #tpu.reduction_kind<sum>} : vector<16xi1> -> vector<16xi32>
        %shift_left3A_267 = arith.constant 0 : i32
        %shift_left3A_268 = vector.broadcast %shift_left3A_267 : i32 to vector<16xi32>
        %shift_left3A_269 = arith.shli %all_reduce_population_count3A_266, %shift_left3A_268 : vector<16xi32>
        %add3A_270 = arith.addi %broadcast_in_dim3A_244, %shift_left3A_269 : vector<16xi32>
        %add3A_271 = arith.constant 5 : i32
        %add3A_272 = arith.addi %while3A_138, %add3A_271 : i32
        %mul3A_273 = arith.constant 16 : i32
        %mul3A_274 = arith.muli %add3A_272, %mul3A_273 : i32
        %get3A_275 = arith.index_cast %mul3A_274 : i32 to index
        %get3A_276 = tpu.vector_load %arg10[%get3A_275] {strides = array<i32>} : memref<16384xf32, #tpu.memory_space<vmem>>, vector<16xf32>,
        %get3A_277 = arith.index_cast %mul3A_274 : i32 to index
        %get3A_278 = tpu.vector_load %arg11[%get3A_277] {strides = array<i32>} : memref<16384xf32, #tpu.memory_space<vmem>>, vector<16xf32>,
        %get3A_279 = arith.index_cast %mul3A_274 : i32 to index
        %get3A_280 = tpu.vector_load %arg12[%get3A_279] {strides = array<i32>} : memref<16384xf32, #tpu.memory_space<vmem>>, vector<16xf32>,
        %sub3A_281 = arith.subf %get3A_276, %gather3A : vector<16xf32>
        %sub3A_282 = arith.subf %get3A_278, %gather3A_42 : vector<16xf32>
        %sub3A_283 = arith.subf %get3A_280, %gather3A_43 : vector<16xf32>
        %mul3A_284 = arith.mulf %sub3A_281, %sub3A_281 : vector<16xf32>
        %mul3A_285 = arith.mulf %sub3A_282, %sub3A_282 : vector<16xf32>
        %add3A_286 = arith.addf %mul3A_284, %mul3A_285 : vector<16xf32>
        %mul3A_287 = arith.mulf %sub3A_283, %sub3A_283 : vector<16xf32>
        %add3A_288 = arith.addf %add3A_286, %mul3A_287 : vector<16xf32>
        %le3A_289 = arith.constant 1.000000e+00 : f32
        %le3A_290 = vector.broadcast %le3A_289 : f32 to vector<16xf32>
        %le3A_291 = arith.cmpf ole, %add3A_288, %le3A_290 : vector<16xf32>
        %all_reduce_population_count3A_292 = tpu.all_reduce %le3A_291 {dim = 0 : i64, kind = #tpu.reduction_kind<sum>} : vector<16xi1> -> vector<16xi32>
        %shift_left3A_293 = arith.constant 8 : i32
        %shift_left3A_294 = vector.broadcast %shift_left3A_293 : i32 to vector<16xi32>
        %shift_left3A_295 = arith.shli %all_reduce_population_count3A_292, %shift_left3A_294 : vector<16xi32>
        %add3A_296 = arith.addi %add3A_270, %shift_left3A_295 : vector<16xi32>
        %add3A_297 = arith.constant 6 : i32
        %add3A_298 = arith.addi %while3A_138, %add3A_297 : i32
        %mul3A_299 = arith.constant 16 : i32
        %mul3A_300 = arith.muli %add3A_298, %mul3A_299 : i32
        %get3A_301 = arith.index_cast %mul3A_300 : i32 to index
        %get3A_302 = tpu.vector_load %arg10[%get3A_301] {strides = array<i32>} : memref<16384xf32, #tpu.memory_space<vmem>>, vector<16xf32>,
        %get3A_303 = arith.index_cast %mul3A_300 : i32 to index
        %get3A_304 = tpu.vector_load %arg11[%get3A_303] {strides = array<i32>} : memref<16384xf32, #tpu.memory_space<vmem>>, vector<16xf32>,
        %get3A_305 = arith.index_cast %mul3A_300 : i32 to index
        %get3A_306 = tpu.vector_load %arg12[%get3A_305] {strides = array<i32>} : memref<16384xf32, #tpu.memory_space<vmem>>, vector<16xf32>,
        %sub3A_307 = arith.subf %get3A_302, %gather3A : vector<16xf32>
        %sub3A_308 = arith.subf %get3A_304, %gather3A_42 : vector<16xf32>
        %sub3A_309 = arith.subf %get3A_306, %gather3A_43 : vector<16xf32>
        %mul3A_310 = arith.mulf %sub3A_307, %sub3A_307 : vector<16xf32>
        %mul3A_311 = arith.mulf %sub3A_308, %sub3A_308 : vector<16xf32>
        %add3A_312 = arith.addf %mul3A_310, %mul3A_311 : vector<16xf32>
        %mul3A_313 = arith.mulf %sub3A_309, %sub3A_309 : vector<16xf32>
        %add3A_314 = arith.addf %add3A_312, %mul3A_313 : vector<16xf32>
        %le3A_315 = arith.constant 1.000000e+00 : f32
        %le3A_316 = vector.broadcast %le3A_315 : f32 to vector<16xf32>
        %le3A_317 = arith.cmpf ole, %add3A_314, %le3A_316 : vector<16xf32>
        %all_reduce_population_count3A_318 = tpu.all_reduce %le3A_317 {dim = 0 : i64, kind = #tpu.reduction_kind<sum>} : vector<16xi1> -> vector<16xi32>
        %shift_left3A_319 = arith.constant 16 : i32
        %shift_left3A_320 = vector.broadcast %shift_left3A_319 : i32 to vector<16xi32>
        %shift_left3A_321 = arith.shli %all_reduce_population_count3A_318, %shift_left3A_320 : vector<16xi32>
        %add3A_322 = arith.addi %add3A_296, %shift_left3A_321 : vector<16xi32>
        %add3A_323 = arith.constant 7 : i32
        %add3A_324 = arith.addi %while3A_138, %add3A_323 : i32
        %mul3A_325 = arith.constant 16 : i32
        %mul3A_326 = arith.muli %add3A_324, %mul3A_325 : i32
        %get3A_327 = arith.index_cast %mul3A_326 : i32 to index
        %get3A_328 = tpu.vector_load %arg10[%get3A_327] {strides = array<i32>} : memref<16384xf32, #tpu.memory_space<vmem>>, vector<16xf32>,
        %get3A_329 = arith.index_cast %mul3A_326 : i32 to index
        %get3A_330 = tpu.vector_load %arg11[%get3A_329] {strides = array<i32>} : memref<16384xf32, #tpu.memory_space<vmem>>, vector<16xf32>,
        %get3A_331 = arith.index_cast %mul3A_326 : i32 to index
        %get3A_332 = tpu.vector_load %arg12[%get3A_331] {strides = array<i32>} : memref<16384xf32, #tpu.memory_space<vmem>>, vector<16xf32>,
        %sub3A_333 = arith.subf %get3A_328, %gather3A : vector<16xf32>
        %sub3A_334 = arith.subf %get3A_330, %gather3A_42 : vector<16xf32>
        %sub3A_335 = arith.subf %get3A_332, %gather3A_43 : vector<16xf32>
        %mul3A_336 = arith.mulf %sub3A_333, %sub3A_333 : vector<16xf32>
        %mul3A_337 = arith.mulf %sub3A_334, %sub3A_334 : vector<16xf32>
        %add3A_338 = arith.addf %mul3A_336, %mul3A_337 : vector<16xf32>
        %mul3A_339 = arith.mulf %sub3A_335, %sub3A_335 : vector<16xf32>
        %add3A_340 = arith.addf %add3A_338, %mul3A_339 : vector<16xf32>
        %le3A_341 = arith.constant 1.000000e+00 : f32
        %le3A_342 = vector.broadcast %le3A_341 : f32 to vector<16xf32>
        %le3A_343 = arith.cmpf ole, %add3A_340, %le3A_342 : vector<16xf32>
        %all_reduce_population_count3A_344 = tpu.all_reduce %le3A_343 {dim = 0 : i64, kind = #tpu.reduction_kind<sum>} : vector<16xi1> -> vector<16xi32>
        %shift_left3A_345 = arith.constant 24 : i32
        %shift_left3A_346 = vector.broadcast %shift_left3A_345 : i32 to vector<16xi32>
        %shift_left3A_347 = arith.shli %all_reduce_population_count3A_344, %shift_left3A_346 : vector<16xi32>
        %add3A_348 = arith.addi %add3A_322, %shift_left3A_347 : vector<16xi32>
        %broadcast_in_dim3A_349 = arith.constant 0 : i32
        %broadcast_in_dim3A_350 = vector.broadcast %broadcast_in_dim3A_349 : i32 to vector<16xi32>
        %reduce_max3A_351 = arith.constant true
        %reduce_max3A_352 = vector.broadcast %reduce_max3A_351 : i1 to vector<16xi1>
        %reduce_max3A_353 = arith.constant -2147483648 : i32
        %reduce_max3A_354 = vector.broadcast %reduce_max3A_353 : i32 to vector<16xi32>
        %reduce_max3A_355 = arith.xori %add3A_242, %reduce_max3A_354 : vector<16xi32>
        %reduce_max3A_356 = tpu.scan <max>, %reduce_max3A_355 masked %reduce_max3A_352 : vector<16xi32>, vector<16xi1> -> vector<16xi32>
        %reduce_max3A_357 = arith.xori %reduce_max3A_356, %reduce_max3A_354 : vector<16xi32>
        %reduce_max3A_358 = vector.extract %reduce_max3A_357[15] : i32 from vector<16xi32>
        %reduce_max3A_359 = arith.constant true
        %reduce_max3A_360 = vector.broadcast %reduce_max3A_359 : i1 to vector<16xi1>
        %reduce_max3A_361 = arith.constant -2147483648 : i32
        %reduce_max3A_362 = vector.broadcast %reduce_max3A_361 : i32 to vector<16xi32>
        %reduce_max3A_363 = arith.xori %add3A_348, %reduce_max3A_362 : vector<16xi32>
        %reduce_max3A_364 = tpu.scan <max>, %reduce_max3A_363 masked %reduce_max3A_360 : vector<16xi32>, vector<16xi1> -> vector<16xi32>
        %reduce_max3A_365 = arith.xori %reduce_max3A_364, %reduce_max3A_362 : vector<16xi32>
        %reduce_max3A_366 = vector.extract %reduce_max3A_365[15] : i32 from vector<16xi32>
        %shift_right_arithmetic3A = arith.constant 0 : i32
        %shift_right_arithmetic3A_367 = arith.shrsi %reduce_max3A_358, %shift_right_arithmetic3A : i32
        %and3A_368 = arith.constant 255 : i32
        %and3A_369 = arith.andi %shift_right_arithmetic3A_367, %and3A_368 : i32
        %shift_right_arithmetic3A_370 = arith.constant 8 : i32
        %shift_right_arithmetic3A_371 = arith.shrsi %reduce_max3A_358, %shift_right_arithmetic3A_370 : i32
        %and3A_372 = arith.constant 255 : i32
        %and3A_373 = arith.andi %shift_right_arithmetic3A_371, %and3A_372 : i32
        %shift_right_arithmetic3A_374 = arith.constant 16 : i32
        %shift_right_arithmetic3A_375 = arith.shrsi %reduce_max3A_358, %shift_right_arithmetic3A_374 : i32
        %and3A_376 = arith.constant 255 : i32
        %and3A_377 = arith.andi %shift_right_arithmetic3A_375, %and3A_376 : i32
        %shift_right_arithmetic3A_378 = arith.constant 24 : i32
        %shift_right_arithmetic3A_379 = arith.shrsi %reduce_max3A_358, %shift_right_arithmetic3A_378 : i32
        %and3A_380 = arith.constant 255 : i32
        %and3A_381 = arith.andi %shift_right_arithmetic3A_379, %and3A_380 : i32
        %shift_right_arithmetic3A_382 = arith.constant 0 : i32
        %shift_right_arithmetic3A_383 = arith.shrsi %reduce_max3A_366, %shift_right_arithmetic3A_382 : i32
        %and3A_384 = arith.constant 255 : i32
        %and3A_385 = arith.andi %shift_right_arithmetic3A_383, %and3A_384 : i32
        %shift_right_arithmetic3A_386 = arith.constant 8 : i32
        %shift_right_arithmetic3A_387 = arith.shrsi %reduce_max3A_366, %shift_right_arithmetic3A_386 : i32
        %and3A_388 = arith.constant 255 : i32
        %and3A_389 = arith.andi %shift_right_arithmetic3A_387, %and3A_388 : i32
        %shift_right_arithmetic3A_390 = arith.constant 16 : i32
        %shift_right_arithmetic3A_391 = arith.shrsi %reduce_max3A_366, %shift_right_arithmetic3A_390 : i32
        %and3A_392 = arith.constant 255 : i32
        %and3A_393 = arith.andi %shift_right_arithmetic3A_391, %and3A_392 : i32
        %shift_right_arithmetic3A_394 = arith.constant 24 : i32
        %shift_right_arithmetic3A_395 = arith.shrsi %reduce_max3A_366, %shift_right_arithmetic3A_394 : i32
        %and3A_396 = arith.constant 255 : i32
        %and3A_397 = arith.andi %shift_right_arithmetic3A_395, %and3A_396 : i32
        %or3A = arith.ori %reduce_max3A_358, %reduce_max3A_366 : i32
        %gt3A = arith.constant 0 : i32
        %gt3A_398 = arith.cmpi sgt, %or3A, %gt3A : i32
        %convert_element_type3A = arith.extui %gt3A_398 : i1 to i32
        %cond3A = arith.constant 0 : i32
        %cond3A_399 = arith.cmpi ne, %convert_element_type3A, %cond3A : i32
        scf.if %cond3A_399 {
          %add3A_410 = arith.constant 0 : i32
          %add3A_411 = arith.addi %while3A_138, %add3A_410 : i32
          %mul3A_412 = arith.constant 16 : i32
          %mul3A_413 = arith.muli %add3A_411, %mul3A_412 : i32
          %add3A_414 = vector.broadcast %mul3A_413 : i32 to vector<16xi32>
          %add3A_415 = arith.addi %add3A_414, %iota3A : vector<16xi32>
          %swap3A_416 = arith.index_cast %while3A_139 : i32 to index
          %swap3A_417 = tpu.vector_load %arg17[%swap3A_416] masked %le3A_161 {strides = array<i32>} : memref<192xi32, #tpu.memory_space<vmem>>, vector<16xi32>, vector<16xi1>
          tpu.vector_store %arg17[%swap3A_416], %add3A_415 masked %le3A_161 {strides = array<i32>} : memref<192xi32, #tpu.memory_space<vmem>>, vector<16xi32>, vector<16xi1>
          %add3A_418 = arith.addi %while3A_139, %and3A_369 : i32
          %add3A_419 = arith.constant 1 : i32
          %add3A_420 = arith.addi %while3A_138, %add3A_419 : i32
          %mul3A_421 = arith.constant 16 : i32
          %mul3A_422 = arith.muli %add3A_420, %mul3A_421 : i32
          %add3A_423 = vector.broadcast %mul3A_422 : i32 to vector<16xi32>
          %add3A_424 = arith.addi %add3A_423, %iota3A : vector<16xi32>
          %swap3A_425 = arith.index_cast %add3A_418 : i32 to index
          %swap3A_426 = tpu.vector_load %arg17[%swap3A_425] masked %le3A_185 {strides = array<i32>} : memref<192xi32, #tpu.memory_space<vmem>>, vector<16xi32>, vector<16xi1>
          tpu.vector_store %arg17[%swap3A_425], %add3A_424 masked %le3A_185 {strides = array<i32>} : memref<192xi32, #tpu.memory_space<vmem>>, vector<16xi32>, vector<16xi1>
          %add3A_427 = arith.addi %add3A_418, %and3A_373 : i32
          %add3A_428 = arith.constant 2 : i32
          %add3A_429 = arith.addi %while3A_138, %add3A_428 : i32
          %mul3A_430 = arith.constant 16 : i32
          %mul3A_431 = arith.muli %add3A_429, %mul3A_430 : i32
          %add3A_432 = vector.broadcast %mul3A_431 : i32 to vector<16xi32>
          %add3A_433 = arith.addi %add3A_432, %iota3A : vector<16xi32>
          %swap3A_434 = arith.index_cast %add3A_427 : i32 to index
          %swap3A_435 = tpu.vector_load %arg17[%swap3A_434] masked %le3A_211 {strides = array<i32>} : memref<192xi32, #tpu.memory_space<vmem>>, vector<16xi32>, vector<16xi1>
          tpu.vector_store %arg17[%swap3A_434], %add3A_433 masked %le3A_211 {strides = array<i32>} : memref<192xi32, #tpu.memory_space<vmem>>, vector<16xi32>, vector<16xi1>
          %add3A_436 = arith.addi %add3A_427, %and3A_377 : i32
          %add3A_437 = arith.constant 3 : i32
          %add3A_438 = arith.addi %while3A_138, %add3A_437 : i32
          %mul3A_439 = arith.constant 16 : i32
          %mul3A_440 = arith.muli %add3A_438, %mul3A_439 : i32
          %add3A_441 = vector.broadcast %mul3A_440 : i32 to vector<16xi32>
          %add3A_442 = arith.addi %add3A_441, %iota3A : vector<16xi32>
          %swap3A_443 = arith.index_cast %add3A_436 : i32 to index
          %swap3A_444 = tpu.vector_load %arg17[%swap3A_443] masked %le3A_237 {strides = array<i32>} : memref<192xi32, #tpu.memory_space<vmem>>, vector<16xi32>, vector<16xi1>
          tpu.vector_store %arg17[%swap3A_443], %add3A_442 masked %le3A_237 {strides = array<i32>} : memref<192xi32, #tpu.memory_space<vmem>>, vector<16xi32>, vector<16xi1>
          %add3A_445 = arith.addi %add3A_436, %and3A_381 : i32
          %add3A_446 = arith.constant 4 : i32
          %add3A_447 = arith.addi %while3A_138, %add3A_446 : i32
          %mul3A_448 = arith.constant 16 : i32
          %mul3A_449 = arith.muli %add3A_447, %mul3A_448 : i32
          %add3A_450 = vector.broadcast %mul3A_449 : i32 to vector<16xi32>
          %add3A_451 = arith.addi %add3A_450, %iota3A : vector<16xi32>
          %swap3A_452 = arith.index_cast %add3A_445 : i32 to index
          %swap3A_453 = tpu.vector_load %arg17[%swap3A_452] masked %le3A_265 {strides = array<i32>} : memref<192xi32, #tpu.memory_space<vmem>>, vector<16xi32>, vector<16xi1>
          tpu.vector_store %arg17[%swap3A_452], %add3A_451 masked %le3A_265 {strides = array<i32>} : memref<192xi32, #tpu.memory_space<vmem>>, vector<16xi32>, vector<16xi1>
          %add3A_454 = arith.addi %add3A_445, %and3A_385 : i32
          %add3A_455 = arith.constant 5 : i32
          %add3A_456 = arith.addi %while3A_138, %add3A_455 : i32
          %mul3A_457 = arith.constant 16 : i32
          %mul3A_458 = arith.muli %add3A_456, %mul3A_457 : i32
          %add3A_459 = vector.broadcast %mul3A_458 : i32 to vector<16xi32>
          %add3A_460 = arith.addi %add3A_459, %iota3A : vector<16xi32>
          %swap3A_461 = arith.index_cast %add3A_454 : i32 to index
          %swap3A_462 = tpu.vector_load %arg17[%swap3A_461] masked %le3A_291 {strides = array<i32>} : memref<192xi32, #tpu.memory_space<vmem>>, vector<16xi32>, vector<16xi1>
          tpu.vector_store %arg17[%swap3A_461], %add3A_460 masked %le3A_291 {strides = array<i32>} : memref<192xi32, #tpu.memory_space<vmem>>, vector<16xi32>, vector<16xi1>
          %add3A_463 = arith.addi %add3A_454, %and3A_389 : i32
          %add3A_464 = arith.constant 6 : i32
          %add3A_465 = arith.addi %while3A_138, %add3A_464 : i32
          %mul3A_466 = arith.constant 16 : i32
          %mul3A_467 = arith.muli %add3A_465, %mul3A_466 : i32
          %add3A_468 = vector.broadcast %mul3A_467 : i32 to vector<16xi32>
          %add3A_469 = arith.addi %add3A_468, %iota3A : vector<16xi32>
          %swap3A_470 = arith.index_cast %add3A_463 : i32 to index
          %swap3A_471 = tpu.vector_load %arg17[%swap3A_470] masked %le3A_317 {strides = array<i32>} : memref<192xi32, #tpu.memory_space<vmem>>, vector<16xi32>, vector<16xi1>
          tpu.vector_store %arg17[%swap3A_470], %add3A_469 masked %le3A_317 {strides = array<i32>} : memref<192xi32, #tpu.memory_space<vmem>>, vector<16xi32>, vector<16xi1>
          %add3A_472 = arith.addi %add3A_463, %and3A_393 : i32
          %add3A_473 = arith.constant 7 : i32
          %add3A_474 = arith.addi %while3A_138, %add3A_473 : i32
          %mul3A_475 = arith.constant 16 : i32
          %mul3A_476 = arith.muli %add3A_474, %mul3A_475 : i32
          %add3A_477 = vector.broadcast %mul3A_476 : i32 to vector<16xi32>
          %add3A_478 = arith.addi %add3A_477, %iota3A : vector<16xi32>
          %swap3A_479 = arith.index_cast %add3A_472 : i32 to index
          %swap3A_480 = tpu.vector_load %arg17[%swap3A_479] masked %le3A_343 {strides = array<i32>} : memref<192xi32, #tpu.memory_space<vmem>>, vector<16xi32>, vector<16xi1>
          tpu.vector_store %arg17[%swap3A_479], %add3A_478 masked %le3A_343 {strides = array<i32>} : memref<192xi32, #tpu.memory_space<vmem>>, vector<16xi32>, vector<16xi1>
          %add3A_481 = arith.addi %add3A_472, %and3A_397 : i32
        } else {
        }
        %add3A_400 = arith.addi %and3A_369, %and3A_373 : i32
        %add3A_401 = arith.addi %add3A_400, %and3A_377 : i32
        %add3A_402 = arith.addi %add3A_401, %and3A_381 : i32
        %add3A_403 = arith.addi %add3A_402, %and3A_385 : i32
        %add3A_404 = arith.addi %add3A_403, %and3A_389 : i32
        %add3A_405 = arith.addi %add3A_404, %and3A_393 : i32
        %add3A_406 = arith.addi %add3A_405, %and3A_397 : i32
        %add3A_407 = arith.constant 8 : i32
        %add3A_408 = arith.addi %while3A_138, %add3A_407 : i32
        %add3A_409 = arith.addi %while3A_139, %add3A_406 : i32
        scf.yield %add3A_408, %add3A_409 : i32, i32
      }
      %get3A = arith.constant 0 : index
      %get3A_46 = tpu.vector_load %arg17[%get3A] {strides = array<i32>} : memref<192xi32, #tpu.memory_space<vmem>>, vector<16xi32>,
      %eq3A_47 = arith.constant 0 : i32
      %eq3A_48 = vector.broadcast %eq3A_47 : i32 to vector<16xi32>
      %eq3A_49 = arith.cmpi eq, %iota3A, %eq3A_48 : vector<16xi32>
      %jit3A_50 = arith.constant -2147483648 : i32
      %broadcast_in_dim3A_51 = vector.broadcast %jit3A_50 : i32 to vector<16xi32>
      %select_n3A_52 = arith.select %eq3A_49, %get3A_46, %broadcast_in_dim3A_51 : vector<16xi1>, vector<16xi32>
      %reduce_max3A = arith.constant true
      %reduce_max3A_53 = vector.broadcast %reduce_max3A : i1 to vector<16xi1>
      %reduce_max3A_54 = arith.constant -2147483648 : i32
      %reduce_max3A_55 = vector.broadcast %reduce_max3A_54 : i32 to vector<16xi32>
      %reduce_max3A_56 = arith.xori %select_n3A_52, %reduce_max3A_55 : vector<16xi32>
      %reduce_max3A_57 = tpu.scan <max>, %reduce_max3A_56 masked %reduce_max3A_53 : vector<16xi32>, vector<16xi1> -> vector<16xi32>
      %reduce_max3A_58 = arith.xori %reduce_max3A_57, %reduce_max3A_55 : vector<16xi32>
      %reduce_max3A_59 = vector.extract %reduce_max3A_58[15] : i32 from vector<16xi32>
      %broadcast_in_dim3A_60 = vector.broadcast %reduce_max3A_59 : i32 to vector<16xi32>
      %broadcast_in_dim3A_61 = vector.broadcast %while3A_45#1 : i32 to vector<16xi32>
      %add3A_62 = arith.constant 0 : i32
      %add3A_63 = vector.broadcast %add3A_62 : i32 to vector<16xi32>
      %add3A_64 = arith.addi %iota3A, %add3A_63 : vector<16xi32>
      %get3A_65 = arith.constant 0 : index
      %get3A_66 = tpu.vector_load %arg17[%get3A_65] {strides = array<i32>} : memref<192xi32, #tpu.memory_space<vmem>>, vector<16xi32>,
      %lt3A_67 = arith.cmpi slt, %add3A_64, %broadcast_in_dim3A_61 : vector<16xi32>
      %select_n3A_68 = arith.select %lt3A_67, %get3A_66, %broadcast_in_dim3A_60 : vector<16xi1>, vector<16xi32>
      %swap3A = arith.constant 0 : index
      %swap3A_69 = tpu.vector_load %arg17[%swap3A] {strides = array<i32>} : memref<192xi32, #tpu.memory_space<vmem>>, vector<16xi32>,
      tpu.vector_store %arg17[%swap3A], %select_n3A_68 {strides = array<i32>} : memref<192xi32, #tpu.memory_space<vmem>>, vector<16xi32>,
      %add3A_70 = arith.constant 16 : i32
      %add3A_71 = vector.broadcast %add3A_70 : i32 to vector<16xi32>
      %add3A_72 = arith.addi %iota3A, %add3A_71 : vector<16xi32>
      %get3A_73 = arith.constant 16 : index
      %get3A_74 = tpu.vector_load %arg17[%get3A_73] {strides = array<i32>} : memref<192xi32, #tpu.memory_space<vmem>>, vector<16xi32>,
      %lt3A_75 = arith.cmpi slt, %add3A_72, %broadcast_in_dim3A_61 : vector<16xi32>
      %select_n3A_76 = arith.select %lt3A_75, %get3A_74, %broadcast_in_dim3A_60 : vector<16xi1>, vector<16xi32>
      %swap3A_77 = arith.constant 16 : index
      %swap3A_78 = tpu.vector_load %arg17[%swap3A_77] {strides = array<i32>} : memref<192xi32, #tpu.memory_space<vmem>>, vector<16xi32>,
      tpu.vector_store %arg17[%swap3A_77], %select_n3A_76 {strides = array<i32>} : memref<192xi32, #tpu.memory_space<vmem>>, vector<16xi32>,
      %broadcast_in_dim3A_79 = vector.broadcast %scan3A_38 : i32 to vector<16xi32>
      %get3A_80 = arith.constant 0 : index
      %get3A_81 = tpu.vector_load %arg17[%get3A_80] {strides = array<i32>} : memref<192xi32, #tpu.memory_space<vmem>>, vector<16xi32>,
      %jit3A_82 = arith.constant 0 : i32
      %jit3A_83 = arith.constant 16383 : i32
      %max3A = vector.broadcast %jit3A_82 : i32 to vector<16xi32>
      %max3A_84 = arith.maxsi %max3A, %get3A_81 : vector<16xi32>
      %min3A = vector.broadcast %jit3A_83 : i32 to vector<16xi32>
      %min3A_85 = arith.minsi %min3A, %max3A_84 : vector<16xi32>
      %add3A_86 = arith.constant 0 : i32
      %add3A_87 = vector.broadcast %add3A_86 : i32 to vector<16xi32>
      %add3A_88 = arith.addi %iota3A, %add3A_87 : vector<16xi32>
      %mul3A_89 = arith.constant 4 : i32
      %mul3A_90 = vector.broadcast %mul3A_89 : i32 to vector<16xi32>
      %mul3A_91 = arith.muli %add3A_88, %mul3A_90 : vector<16xi32>
      %gather3A_92 = tpu.vector_load_idx %arg10[%min3A_85] : memref<16384xf32, #tpu.memory_space<vmem>>[vector<16xi32>], vector<16xf32>,
      %sub3A_93 = arith.subf %gather3A_92, %gather3A : vector<16xf32>
      tpu.vector_store_idx %arg18[%mul3A_91, %broadcast_in_dim3A_79], %sub3A_93 : memref<128x128xf32, #tpu.memory_space<vmem>>[vector<16xi32>, vector<16xi32>], vector<16xf32>,
      %gather3A_94 = tpu.vector_load_idx %arg11[%min3A_85] : memref<16384xf32, #tpu.memory_space<vmem>>[vector<16xi32>], vector<16xf32>,
      %sub3A_95 = arith.subf %gather3A_94, %gather3A_42 : vector<16xf32>
      %add3A_96 = arith.constant 1 : i32
      %add3A_97 = vector.broadcast %add3A_96 : i32 to vector<16xi32>
      %add3A_98 = arith.addi %mul3A_91, %add3A_97 : vector<16xi32>
      tpu.vector_store_idx %arg18[%add3A_98, %broadcast_in_dim3A_79], %sub3A_95 : memref<128x128xf32, #tpu.memory_space<vmem>>[vector<16xi32>, vector<16xi32>], vector<16xf32>,
      %gather3A_99 = tpu.vector_load_idx %arg12[%min3A_85] : memref<16384xf32, #tpu.memory_space<vmem>>[vector<16xi32>], vector<16xf32>,
      %sub3A_100 = arith.subf %gather3A_99, %gather3A_43 : vector<16xf32>
      %add3A_101 = arith.constant 2 : i32
      %add3A_102 = vector.broadcast %add3A_101 : i32 to vector<16xi32>
      %add3A_103 = arith.addi %mul3A_91, %add3A_102 : vector<16xi32>
      tpu.vector_store_idx %arg18[%add3A_103, %broadcast_in_dim3A_79], %sub3A_100 : memref<128x128xf32, #tpu.memory_space<vmem>>[vector<16xi32>, vector<16xi32>], vector<16xf32>,
      %gather3A_104 = tpu.vector_load_idx %arg13[%min3A_85] : memref<16384xf32, #tpu.memory_space<vmem>>[vector<16xi32>], vector<16xf32>,
      %add3A_105 = arith.constant 3 : i32
      %add3A_106 = vector.broadcast %add3A_105 : i32 to vector<16xi32>
      %add3A_107 = arith.addi %mul3A_91, %add3A_106 : vector<16xi32>
      tpu.vector_store_idx %arg18[%add3A_107, %broadcast_in_dim3A_79], %gather3A_104 : memref<128x128xf32, #tpu.memory_space<vmem>>[vector<16xi32>, vector<16xi32>], vector<16xf32>,
      %get3A_108 = arith.constant 16 : index
      %get3A_109 = tpu.vector_load %arg17[%get3A_108] {strides = array<i32>} : memref<192xi32, #tpu.memory_space<vmem>>, vector<16xi32>,
      %jit3A_110 = arith.constant 0 : i32
      %jit3A_111 = arith.constant 16383 : i32
      %max3A_112 = vector.broadcast %jit3A_110 : i32 to vector<16xi32>
      %max3A_113 = arith.maxsi %max3A_112, %get3A_109 : vector<16xi32>
      %min3A_114 = vector.broadcast %jit3A_111 : i32 to vector<16xi32>
      %min3A_115 = arith.minsi %min3A_114, %max3A_113 : vector<16xi32>
      %add3A_116 = arith.constant 16 : i32
      %add3A_117 = vector.broadcast %add3A_116 : i32 to vector<16xi32>
      %add3A_118 = arith.addi %iota3A, %add3A_117 : vector<16xi32>
      %mul3A_119 = arith.constant 4 : i32
      %mul3A_120 = vector.broadcast %mul3A_119 : i32 to vector<16xi32>
      %mul3A_121 = arith.muli %add3A_118, %mul3A_120 : vector<16xi32>
      %gather3A_122 = tpu.vector_load_idx %arg10[%min3A_115] : memref<16384xf32, #tpu.memory_space<vmem>>[vector<16xi32>], vector<16xf32>,
      %sub3A_123 = arith.subf %gather3A_122, %gather3A : vector<16xf32>
      tpu.vector_store_idx %arg18[%mul3A_121, %broadcast_in_dim3A_79], %sub3A_123 : memref<128x128xf32, #tpu.memory_space<vmem>>[vector<16xi32>, vector<16xi32>], vector<16xf32>,
      %gather3A_124 = tpu.vector_load_idx %arg11[%min3A_115] : memref<16384xf32, #tpu.memory_space<vmem>>[vector<16xi32>], vector<16xf32>,
      %sub3A_125 = arith.subf %gather3A_124, %gather3A_42 : vector<16xf32>
      %add3A_126 = arith.constant 1 : i32
      %add3A_127 = vector.broadcast %add3A_126 : i32 to vector<16xi32>
      %add3A_128 = arith.addi %mul3A_121, %add3A_127 : vector<16xi32>
      tpu.vector_store_idx %arg18[%add3A_128, %broadcast_in_dim3A_79], %sub3A_125 : memref<128x128xf32, #tpu.memory_space<vmem>>[vector<16xi32>, vector<16xi32>], vector<16xf32>,
      %gather3A_129 = tpu.vector_load_idx %arg12[%min3A_115] : memref<16384xf32, #tpu.memory_space<vmem>>[vector<16xi32>], vector<16xf32>,
      %sub3A_130 = arith.subf %gather3A_129, %gather3A_43 : vector<16xf32>
      %add3A_131 = arith.constant 2 : i32
      %add3A_132 = vector.broadcast %add3A_131 : i32 to vector<16xi32>
      %add3A_133 = arith.addi %mul3A_121, %add3A_132 : vector<16xi32>
      tpu.vector_store_idx %arg18[%add3A_133, %broadcast_in_dim3A_79], %sub3A_130 : memref<128x128xf32, #tpu.memory_space<vmem>>[vector<16xi32>, vector<16xi32>], vector<16xf32>,
      %gather3A_134 = tpu.vector_load_idx %arg13[%min3A_115] : memref<16384xf32, #tpu.memory_space<vmem>>[vector<16xi32>], vector<16xf32>,
      %add3A_135 = arith.constant 3 : i32
      %add3A_136 = vector.broadcast %add3A_135 : i32 to vector<16xi32>
      %add3A_137 = arith.addi %mul3A_121, %add3A_136 : vector<16xi32>
      tpu.vector_store_idx %arg18[%add3A_137, %broadcast_in_dim3A_79], %gather3A_134 : memref<128x128xf32, #tpu.memory_space<vmem>>[vector<16xi32>, vector<16xi32>], vector<16xf32>,
    }
    %scan3A_35 = arith.constant 128 : i32
    %mul3A_36 = arith.constant 128 : i32
    %mul3A_37 = arith.muli %select_n3A_30, %mul3A_36 : i32
    "tpu.region"() ({
      %run_scoped3A = tpu.sem_alloc : memref<!tpu.dma_semaphore, #tpu.memory_space<semaphore_mem>>
      %dma_start3A = arith.constant 0 : i32
      %dma_start3A_38 = tpu.memref_slice %arg9[%select_n3A, %dma_start3A, %mul3A_37] : memref<4x128x1024xf32, #tpu.memory_space<hbm>> -> memref<1x128x128xf32, #tpu.memory_space<hbm>>
      %dma_start3A_39 = tpu.memref_squeeze %dma_start3A_38 : memref<1x128x128xf32, #tpu.memory_space<hbm>> -> memref<128x128xf32, #tpu.memory_space<hbm>>
      %dma_start3A_40 = arith.constant 0 : i32
      %dma_start3A_41 = tpu.memref_slice %arg9[%select_n3A, %dma_start3A_40, %mul3A_37] : memref<4x128x1024xf32, #tpu.memory_space<hbm>> -> memref<1x128x128xf32, #tpu.memory_space<hbm>>
      %dma_start3A_42 = tpu.memref_squeeze %dma_start3A_41 : memref<1x128x128xf32, #tpu.memory_space<hbm>> -> memref<128x128xf32, #tpu.memory_space<hbm>>
      tpu.enqueue_dma source(%arg18 : memref<128x128xf32, #tpu.memory_space<vmem>>) target(%dma_start3A_42 : memref<128x128xf32, #tpu.memory_space<hbm>>) target_semaphore(%run_scoped3A : memref<!tpu.dma_semaphore, #tpu.memory_space<semaphore_mem>>)
      %dma_wait3A = arith.constant 0 : i32
      %dma_wait3A_43 = tpu.memref_slice %arg9[%select_n3A, %dma_wait3A, %mul3A_37] : memref<4x128x1024xf32, #tpu.memory_space<hbm>> -> memref<1x128x128xf32, #tpu.memory_space<hbm>>
      %dma_wait3A_44 = tpu.memref_squeeze %dma_wait3A_43 : memref<1x128x128xf32, #tpu.memory_space<hbm>> -> memref<128x128xf32, #tpu.memory_space<hbm>>
      %dma_wait3A_45 = arith.constant 0 : i32
      %dma_wait3A_46 = tpu.memref_slice %arg9[%select_n3A, %dma_wait3A_45, %mul3A_37] : memref<4x128x1024xf32, #tpu.memory_space<hbm>> -> memref<1x128x128xf32, #tpu.memory_space<hbm>>
      %dma_wait3A_47 = tpu.memref_squeeze %dma_wait3A_46 : memref<1x128x128xf32, #tpu.memory_space<hbm>> -> memref<128x128xf32, #tpu.memory_space<hbm>>
      tpu.wait_dma2 semaphore(%run_scoped3A : memref<!tpu.dma_semaphore, #tpu.memory_space<semaphore_mem>>) src(%arg18 : memref<128x128xf32, #tpu.memory_space<vmem>>) dst(%dma_wait3A_47 : memref<128x128xf32, #tpu.memory_space<hbm>>)
      tpu.yield
    }) : () -> ()
    return
  }
}

module attributes {stable_mosaic.version = 14 : i64} {
  func.func @_fps_body(%arg0: i32, %arg1: memref<4x3x8x2048xf32, #tpu.memory_space<vmem>>, %arg2: memref<4x2x16384xf32, #tpu.memory_space<smem>>, %arg3: memref<4x1x1024xf32, #tpu.memory_space<smem>>, %arg4: memref<4x1x1024xf32, #tpu.memory_space<smem>>, %arg5: memref<4x1x1024xf32, #tpu.memory_space<smem>>, %arg6: memref<4x8x2048xf32, #tpu.memory_space<vmem>>) attributes {dimension_semantics = [#tpu.dimension_semantics<arbitrary>], iteration_bounds = array<i64: 1>, scalar_prefetch = 0 : i64, scratch_operands = 1 : i64, tpu.core_type = #tpu.core_type<tc>, window_params = [{pipeline_mode = #tpu.pipeline_mode<synchronous>, transform_indices = @transform_0, window_bounds = array<i64: 4, 3, 8, 2048>}, {transform_indices = @transform_1, window_bounds = array<i64: 4, 2, 16384>}, {transform_indices = @transform_2, window_bounds = array<i64: 4, 1, 1024>}, {transform_indices = @transform_3, window_bounds = array<i64: 4, 1, 1024>}, {transform_indices = @transform_4, window_bounds = array<i64: 4, 1, 1024>}]} {
    %iota3A = tpu.iota {dimensions = array<i32: 0>} : vector<8x2048xi32>
    %mul3A = arith.constant 2048 : i32
    %mul3A_0 = vector.broadcast %mul3A : i32 to vector<8x2048xi32>
    %mul3A_1 = arith.muli %iota3A, %mul3A_0 : vector<8x2048xi32>
    %iota3A_2 = tpu.iota {dimensions = array<i32: 1>} : vector<8x2048xi32>
    %add3A = arith.addi %mul3A_1, %iota3A_2 : vector<8x2048xi32>
    %get3A = arith.constant 0 : index
    %get3A_3 = arith.constant 0 : index
    %get3A_4 = arith.constant 0 : index
    %get3A_5 = arith.constant 0 : index
    %get3A_6 = vector.load %arg1[%get3A, %get3A_3, %get3A_4, %get3A_5] : memref<4x3x8x2048xf32, #tpu.memory_space<vmem>>, vector<1x1x8x2048xf32>
    %get3A_7 = vector.shape_cast %get3A_6 : vector<1x1x8x2048xf32> to vector<8x2048xf32>
    %get3A_8 = arith.constant 1 : index
    %get3A_9 = arith.constant 0 : index
    %get3A_10 = arith.constant 0 : index
    %get3A_11 = arith.constant 0 : index
    %get3A_12 = vector.load %arg1[%get3A_8, %get3A_9, %get3A_10, %get3A_11] : memref<4x3x8x2048xf32, #tpu.memory_space<vmem>>, vector<1x1x8x2048xf32>
    %get3A_13 = vector.shape_cast %get3A_12 : vector<1x1x8x2048xf32> to vector<8x2048xf32>
    %get3A_14 = arith.constant 2 : index
    %get3A_15 = arith.constant 0 : index
    %get3A_16 = arith.constant 0 : index
    %get3A_17 = arith.constant 0 : index
    %get3A_18 = vector.load %arg1[%get3A_14, %get3A_15, %get3A_16, %get3A_17] : memref<4x3x8x2048xf32, #tpu.memory_space<vmem>>, vector<1x1x8x2048xf32>
    %get3A_19 = vector.shape_cast %get3A_18 : vector<1x1x8x2048xf32> to vector<8x2048xf32>
    %get3A_20 = arith.constant 3 : index
    %get3A_21 = arith.constant 0 : index
    %get3A_22 = arith.constant 0 : index
    %get3A_23 = arith.constant 0 : index
    %get3A_24 = vector.load %arg1[%get3A_20, %get3A_21, %get3A_22, %get3A_23] : memref<4x3x8x2048xf32, #tpu.memory_space<vmem>>, vector<1x1x8x2048xf32>
    %get3A_25 = vector.shape_cast %get3A_24 : vector<1x1x8x2048xf32> to vector<8x2048xf32>
    %get3A_26 = arith.constant 0 : index
    %get3A_27 = arith.constant 1 : index
    %get3A_28 = arith.constant 0 : index
    %get3A_29 = arith.constant 0 : index
    %get3A_30 = vector.load %arg1[%get3A_26, %get3A_27, %get3A_28, %get3A_29] : memref<4x3x8x2048xf32, #tpu.memory_space<vmem>>, vector<1x1x8x2048xf32>
    %get3A_31 = vector.shape_cast %get3A_30 : vector<1x1x8x2048xf32> to vector<8x2048xf32>
    %get3A_32 = arith.constant 1 : index
    %get3A_33 = arith.constant 1 : index
    %get3A_34 = arith.constant 0 : index
    %get3A_35 = arith.constant 0 : index
    %get3A_36 = vector.load %arg1[%get3A_32, %get3A_33, %get3A_34, %get3A_35] : memref<4x3x8x2048xf32, #tpu.memory_space<vmem>>, vector<1x1x8x2048xf32>
    %get3A_37 = vector.shape_cast %get3A_36 : vector<1x1x8x2048xf32> to vector<8x2048xf32>
    %get3A_38 = arith.constant 2 : index
    %get3A_39 = arith.constant 1 : index
    %get3A_40 = arith.constant 0 : index
    %get3A_41 = arith.constant 0 : index
    %get3A_42 = vector.load %arg1[%get3A_38, %get3A_39, %get3A_40, %get3A_41] : memref<4x3x8x2048xf32, #tpu.memory_space<vmem>>, vector<1x1x8x2048xf32>
    %get3A_43 = vector.shape_cast %get3A_42 : vector<1x1x8x2048xf32> to vector<8x2048xf32>
    %get3A_44 = arith.constant 3 : index
    %get3A_45 = arith.constant 1 : index
    %get3A_46 = arith.constant 0 : index
    %get3A_47 = arith.constant 0 : index
    %get3A_48 = vector.load %arg1[%get3A_44, %get3A_45, %get3A_46, %get3A_47] : memref<4x3x8x2048xf32, #tpu.memory_space<vmem>>, vector<1x1x8x2048xf32>
    %get3A_49 = vector.shape_cast %get3A_48 : vector<1x1x8x2048xf32> to vector<8x2048xf32>
    %get3A_50 = arith.constant 0 : index
    %get3A_51 = arith.constant 2 : index
    %get3A_52 = arith.constant 0 : index
    %get3A_53 = arith.constant 0 : index
    %get3A_54 = vector.load %arg1[%get3A_50, %get3A_51, %get3A_52, %get3A_53] : memref<4x3x8x2048xf32, #tpu.memory_space<vmem>>, vector<1x1x8x2048xf32>
    %get3A_55 = vector.shape_cast %get3A_54 : vector<1x1x8x2048xf32> to vector<8x2048xf32>
    %get3A_56 = arith.constant 1 : index
    %get3A_57 = arith.constant 2 : index
    %get3A_58 = arith.constant 0 : index
    %get3A_59 = arith.constant 0 : index
    %get3A_60 = vector.load %arg1[%get3A_56, %get3A_57, %get3A_58, %get3A_59] : memref<4x3x8x2048xf32, #tpu.memory_space<vmem>>, vector<1x1x8x2048xf32>
    %get3A_61 = vector.shape_cast %get3A_60 : vector<1x1x8x2048xf32> to vector<8x2048xf32>
    %get3A_62 = arith.constant 2 : index
    %get3A_63 = arith.constant 2 : index
    %get3A_64 = arith.constant 0 : index
    %get3A_65 = arith.constant 0 : index
    %get3A_66 = vector.load %arg1[%get3A_62, %get3A_63, %get3A_64, %get3A_65] : memref<4x3x8x2048xf32, #tpu.memory_space<vmem>>, vector<1x1x8x2048xf32>
    %get3A_67 = vector.shape_cast %get3A_66 : vector<1x1x8x2048xf32> to vector<8x2048xf32>
    %get3A_68 = arith.constant 3 : index
    %get3A_69 = arith.constant 2 : index
    %get3A_70 = arith.constant 0 : index
    %get3A_71 = arith.constant 0 : index
    %get3A_72 = vector.load %arg1[%get3A_68, %get3A_69, %get3A_70, %get3A_71] : memref<4x3x8x2048xf32, #tpu.memory_space<vmem>>, vector<1x1x8x2048xf32>
    %get3A_73 = vector.shape_cast %get3A_72 : vector<1x1x8x2048xf32> to vector<8x2048xf32>
    %broadcast_in_dim3A = arith.constant 1.000000e+10 : f32
    %broadcast_in_dim3A_74 = vector.broadcast %broadcast_in_dim3A : f32 to vector<8x2048xf32>
    %swap3A = arith.constant 0 : index
    %swap3A_75 = arith.constant 0 : index
    %swap3A_76 = arith.constant 0 : index
    %swap3A_77 = vector.load %arg6[%swap3A, %swap3A_75, %swap3A_76] : memref<4x8x2048xf32, #tpu.memory_space<vmem>>, vector<1x8x2048xf32>
    %swap3A_78 = vector.shape_cast %swap3A_77 : vector<1x8x2048xf32> to vector<8x2048xf32>
    %swap3A_79 = vector.shape_cast %broadcast_in_dim3A_74 : vector<8x2048xf32> to vector<1x8x2048xf32>
    tpu.vector_store %arg6[%swap3A, %swap3A_75, %swap3A_76], %swap3A_79 {strides = array<i32>} : memref<4x8x2048xf32, #tpu.memory_space<vmem>>, vector<1x8x2048xf32>,
    %broadcast_in_dim3A_80 = arith.constant 1.000000e+10 : f32
    %broadcast_in_dim3A_81 = vector.broadcast %broadcast_in_dim3A_80 : f32 to vector<8x2048xf32>
    %swap3A_82 = arith.constant 1 : index
    %swap3A_83 = arith.constant 0 : index
    %swap3A_84 = arith.constant 0 : index
    %swap3A_85 = vector.load %arg6[%swap3A_82, %swap3A_83, %swap3A_84] : memref<4x8x2048xf32, #tpu.memory_space<vmem>>, vector<1x8x2048xf32>
    %swap3A_86 = vector.shape_cast %swap3A_85 : vector<1x8x2048xf32> to vector<8x2048xf32>
    %swap3A_87 = vector.shape_cast %broadcast_in_dim3A_81 : vector<8x2048xf32> to vector<1x8x2048xf32>
    tpu.vector_store %arg6[%swap3A_82, %swap3A_83, %swap3A_84], %swap3A_87 {strides = array<i32>} : memref<4x8x2048xf32, #tpu.memory_space<vmem>>, vector<1x8x2048xf32>,
    %broadcast_in_dim3A_88 = arith.constant 1.000000e+10 : f32
    %broadcast_in_dim3A_89 = vector.broadcast %broadcast_in_dim3A_88 : f32 to vector<8x2048xf32>
    %swap3A_90 = arith.constant 2 : index
    %swap3A_91 = arith.constant 0 : index
    %swap3A_92 = arith.constant 0 : index
    %swap3A_93 = vector.load %arg6[%swap3A_90, %swap3A_91, %swap3A_92] : memref<4x8x2048xf32, #tpu.memory_space<vmem>>, vector<1x8x2048xf32>
    %swap3A_94 = vector.shape_cast %swap3A_93 : vector<1x8x2048xf32> to vector<8x2048xf32>
    %swap3A_95 = vector.shape_cast %broadcast_in_dim3A_89 : vector<8x2048xf32> to vector<1x8x2048xf32>
    tpu.vector_store %arg6[%swap3A_90, %swap3A_91, %swap3A_92], %swap3A_95 {strides = array<i32>} : memref<4x8x2048xf32, #tpu.memory_space<vmem>>, vector<1x8x2048xf32>,
    %broadcast_in_dim3A_96 = arith.constant 1.000000e+10 : f32
    %broadcast_in_dim3A_97 = vector.broadcast %broadcast_in_dim3A_96 : f32 to vector<8x2048xf32>
    %swap3A_98 = arith.constant 3 : index
    %swap3A_99 = arith.constant 0 : index
    %swap3A_100 = arith.constant 0 : index
    %swap3A_101 = vector.load %arg6[%swap3A_98, %swap3A_99, %swap3A_100] : memref<4x8x2048xf32, #tpu.memory_space<vmem>>, vector<1x8x2048xf32>
    %swap3A_102 = vector.shape_cast %swap3A_101 : vector<1x8x2048xf32> to vector<8x2048xf32>
    %swap3A_103 = vector.shape_cast %broadcast_in_dim3A_97 : vector<8x2048xf32> to vector<1x8x2048xf32>
    tpu.vector_store %arg6[%swap3A_98, %swap3A_99, %swap3A_100], %swap3A_103 {strides = array<i32>} : memref<4x8x2048xf32, #tpu.memory_space<vmem>>, vector<1x8x2048xf32>,
    %scan3A = arith.constant 0 : i32
    %scan3A_104 = arith.constant 0 : i32
    %scan3A_105 = arith.constant 0 : i32
    %scan3A_106 = arith.constant 0 : i32
    %scan3A_107 = arith.constant 0 : i32
    %scan3A_108 = arith.constant 1024 : i32
    %scan3A_109 = arith.addi %scan3A_107, %scan3A_108 : i32
    %scan3A_110 = arith.constant 1 : i32
    %scan3A_111:4 = scf.for %scan3A_113 = %scan3A_107 to %scan3A_109 step %scan3A_110 iter_args(%scan3A_114 = %scan3A, %scan3A_115 = %scan3A_104, %scan3A_116 = %scan3A_105, %scan3A_117 = %scan3A_106) -> (i32, i32, i32, i32)  : i32 {
      %get3A_118 = arith.constant 0 : index
      %get3A_119 = arith.constant 0 : index
      %get3A_120 = arith.index_cast %scan3A_114 : i32 to index
      %get3A_121 = memref.load %arg2[%get3A_118, %get3A_119, %get3A_120] : memref<4x2x16384xf32, #tpu.memory_space<smem>>
      %get3A_122 = arith.constant 1 : index
      %get3A_123 = arith.constant 0 : index
      %get3A_124 = arith.index_cast %scan3A_115 : i32 to index
      %get3A_125 = memref.load %arg2[%get3A_122, %get3A_123, %get3A_124] : memref<4x2x16384xf32, #tpu.memory_space<smem>>
      %get3A_126 = arith.constant 2 : index
      %get3A_127 = arith.constant 0 : index
      %get3A_128 = arith.index_cast %scan3A_116 : i32 to index
      %get3A_129 = memref.load %arg2[%get3A_126, %get3A_127, %get3A_128] : memref<4x2x16384xf32, #tpu.memory_space<smem>>
      %get3A_130 = arith.constant 3 : index
      %get3A_131 = arith.constant 0 : index
      %get3A_132 = arith.index_cast %scan3A_117 : i32 to index
      %get3A_133 = memref.load %arg2[%get3A_130, %get3A_131, %get3A_132] : memref<4x2x16384xf32, #tpu.memory_space<smem>>
      %get3A_134 = arith.constant 0 : index
      %get3A_135 = arith.constant 1 : index
      %get3A_136 = arith.index_cast %scan3A_114 : i32 to index
      %get3A_137 = memref.load %arg2[%get3A_134, %get3A_135, %get3A_136] : memref<4x2x16384xf32, #tpu.memory_space<smem>>
      %get3A_138 = arith.constant 1 : index
      %get3A_139 = arith.constant 1 : index
      %get3A_140 = arith.index_cast %scan3A_115 : i32 to index
      %get3A_141 = memref.load %arg2[%get3A_138, %get3A_139, %get3A_140] : memref<4x2x16384xf32, #tpu.memory_space<smem>>
      %get3A_142 = arith.constant 2 : index
      %get3A_143 = arith.constant 1 : index
      %get3A_144 = arith.index_cast %scan3A_116 : i32 to index
      %get3A_145 = memref.load %arg2[%get3A_142, %get3A_143, %get3A_144] : memref<4x2x16384xf32, #tpu.memory_space<smem>>
      %get3A_146 = arith.constant 3 : index
      %get3A_147 = arith.constant 1 : index
      %get3A_148 = arith.index_cast %scan3A_117 : i32 to index
      %get3A_149 = memref.load %arg2[%get3A_146, %get3A_147, %get3A_148] : memref<4x2x16384xf32, #tpu.memory_space<smem>>
      %eq3A = vector.broadcast %scan3A_114 : i32 to vector<8x2048xi32>
      %eq3A_150 = arith.cmpi eq, %add3A, %eq3A : vector<8x2048xi32>
      %eq3A_151 = vector.broadcast %scan3A_115 : i32 to vector<8x2048xi32>
      %eq3A_152 = arith.cmpi eq, %add3A, %eq3A_151 : vector<8x2048xi32>
      %eq3A_153 = vector.broadcast %scan3A_116 : i32 to vector<8x2048xi32>
      %eq3A_154 = arith.cmpi eq, %add3A, %eq3A_153 : vector<8x2048xi32>
      %eq3A_155 = vector.broadcast %scan3A_117 : i32 to vector<8x2048xi32>
      %eq3A_156 = arith.cmpi eq, %add3A, %eq3A_155 : vector<8x2048xi32>
      %jit3A = arith.constant 0.000000e+00 : f32
      %broadcast_in_dim3A_157 = vector.broadcast %jit3A : f32 to vector<8x2048xf32>
      %select_n3A = arith.select %eq3A_150, %get3A_55, %broadcast_in_dim3A_157 : vector<8x2048xi1>, vector<8x2048xf32>
      %reduce_sum3A = vector.shape_cast %select_n3A : vector<8x2048xf32> to vector<1x8x2048xf32>
      %reduce_sum3A_158 = arith.constant dense<0.000000e+00> : vector<1xf32>
      %reduce_sum3A_159 = vector.multi_reduction <add>, %reduce_sum3A, %reduce_sum3A_158 [1, 2] : vector<1x8x2048xf32> to vector<1xf32>
      %reduce_sum3A_160 = vector.shape_cast %reduce_sum3A_159 : vector<1xf32> to vector<1x1x1xf32>
      %reduce_sum3A_161 = vector.extract %reduce_sum3A_160[0, 0, 0] : f32 from vector<1x1x1xf32>
      %jit3A_162 = arith.constant 0.000000e+00 : f32
      %broadcast_in_dim3A_163 = vector.broadcast %jit3A_162 : f32 to vector<8x2048xf32>
      %select_n3A_164 = arith.select %eq3A_152, %get3A_61, %broadcast_in_dim3A_163 : vector<8x2048xi1>, vector<8x2048xf32>
      %reduce_sum3A_165 = vector.shape_cast %select_n3A_164 : vector<8x2048xf32> to vector<1x8x2048xf32>
      %reduce_sum3A_166 = arith.constant dense<0.000000e+00> : vector<1xf32>
      %reduce_sum3A_167 = vector.multi_reduction <add>, %reduce_sum3A_165, %reduce_sum3A_166 [1, 2] : vector<1x8x2048xf32> to vector<1xf32>
      %reduce_sum3A_168 = vector.shape_cast %reduce_sum3A_167 : vector<1xf32> to vector<1x1x1xf32>
      %reduce_sum3A_169 = vector.extract %reduce_sum3A_168[0, 0, 0] : f32 from vector<1x1x1xf32>
      %jit3A_170 = arith.constant 0.000000e+00 : f32
      %broadcast_in_dim3A_171 = vector.broadcast %jit3A_170 : f32 to vector<8x2048xf32>
      %select_n3A_172 = arith.select %eq3A_154, %get3A_67, %broadcast_in_dim3A_171 : vector<8x2048xi1>, vector<8x2048xf32>
      %reduce_sum3A_173 = vector.shape_cast %select_n3A_172 : vector<8x2048xf32> to vector<1x8x2048xf32>
      %reduce_sum3A_174 = arith.constant dense<0.000000e+00> : vector<1xf32>
      %reduce_sum3A_175 = vector.multi_reduction <add>, %reduce_sum3A_173, %reduce_sum3A_174 [1, 2] : vector<1x8x2048xf32> to vector<1xf32>
      %reduce_sum3A_176 = vector.shape_cast %reduce_sum3A_175 : vector<1xf32> to vector<1x1x1xf32>
      %reduce_sum3A_177 = vector.extract %reduce_sum3A_176[0, 0, 0] : f32 from vector<1x1x1xf32>
      %jit3A_178 = arith.constant 0.000000e+00 : f32
      %broadcast_in_dim3A_179 = vector.broadcast %jit3A_178 : f32 to vector<8x2048xf32>
      %select_n3A_180 = arith.select %eq3A_156, %get3A_73, %broadcast_in_dim3A_179 : vector<8x2048xi1>, vector<8x2048xf32>
      %reduce_sum3A_181 = vector.shape_cast %select_n3A_180 : vector<8x2048xf32> to vector<1x8x2048xf32>
      %reduce_sum3A_182 = arith.constant dense<0.000000e+00> : vector<1xf32>
      %reduce_sum3A_183 = vector.multi_reduction <add>, %reduce_sum3A_181, %reduce_sum3A_182 [1, 2] : vector<1x8x2048xf32> to vector<1xf32>
      %reduce_sum3A_184 = vector.shape_cast %reduce_sum3A_183 : vector<1xf32> to vector<1x1x1xf32>
      %reduce_sum3A_185 = vector.extract %reduce_sum3A_184[0, 0, 0] : f32 from vector<1x1x1xf32>
      %swap3A_186 = arith.constant 0 : index
      %swap3A_187 = arith.constant 0 : index
      %swap3A_188 = arith.index_cast %scan3A_113 : i32 to index
      %swap3A_189 = memref.load %arg3[%swap3A_186, %swap3A_187, %swap3A_188] : memref<4x1x1024xf32, #tpu.memory_space<smem>>
      memref.store %get3A_121, %arg3[%swap3A_186, %swap3A_187, %swap3A_188] : memref<4x1x1024xf32, #tpu.memory_space<smem>>
      %swap3A_190 = arith.constant 0 : index
      %swap3A_191 = arith.constant 0 : index
      %swap3A_192 = arith.index_cast %scan3A_113 : i32 to index
      %swap3A_193 = memref.load %arg4[%swap3A_190, %swap3A_191, %swap3A_192] : memref<4x1x1024xf32, #tpu.memory_space<smem>>
      memref.store %get3A_137, %arg4[%swap3A_190, %swap3A_191, %swap3A_192] : memref<4x1x1024xf32, #tpu.memory_space<smem>>
      %swap3A_194 = arith.constant 0 : index
      %swap3A_195 = arith.constant 0 : index
      %swap3A_196 = arith.index_cast %scan3A_113 : i32 to index
      %swap3A_197 = memref.load %arg5[%swap3A_194, %swap3A_195, %swap3A_196] : memref<4x1x1024xf32, #tpu.memory_space<smem>>
      memref.store %reduce_sum3A_161, %arg5[%swap3A_194, %swap3A_195, %swap3A_196] : memref<4x1x1024xf32, #tpu.memory_space<smem>>
      %swap3A_198 = arith.constant 1 : index
      %swap3A_199 = arith.constant 0 : index
      %swap3A_200 = arith.index_cast %scan3A_113 : i32 to index
      %swap3A_201 = memref.load %arg3[%swap3A_198, %swap3A_199, %swap3A_200] : memref<4x1x1024xf32, #tpu.memory_space<smem>>
      memref.store %get3A_125, %arg3[%swap3A_198, %swap3A_199, %swap3A_200] : memref<4x1x1024xf32, #tpu.memory_space<smem>>
      %swap3A_202 = arith.constant 1 : index
      %swap3A_203 = arith.constant 0 : index
      %swap3A_204 = arith.index_cast %scan3A_113 : i32 to index
      %swap3A_205 = memref.load %arg4[%swap3A_202, %swap3A_203, %swap3A_204] : memref<4x1x1024xf32, #tpu.memory_space<smem>>
      memref.store %get3A_141, %arg4[%swap3A_202, %swap3A_203, %swap3A_204] : memref<4x1x1024xf32, #tpu.memory_space<smem>>
      %swap3A_206 = arith.constant 1 : index
      %swap3A_207 = arith.constant 0 : index
      %swap3A_208 = arith.index_cast %scan3A_113 : i32 to index
      %swap3A_209 = memref.load %arg5[%swap3A_206, %swap3A_207, %swap3A_208] : memref<4x1x1024xf32, #tpu.memory_space<smem>>
      memref.store %reduce_sum3A_169, %arg5[%swap3A_206, %swap3A_207, %swap3A_208] : memref<4x1x1024xf32, #tpu.memory_space<smem>>
      %swap3A_210 = arith.constant 2 : index
      %swap3A_211 = arith.constant 0 : index
      %swap3A_212 = arith.index_cast %scan3A_113 : i32 to index
      %swap3A_213 = memref.load %arg3[%swap3A_210, %swap3A_211, %swap3A_212] : memref<4x1x1024xf32, #tpu.memory_space<smem>>
      memref.store %get3A_129, %arg3[%swap3A_210, %swap3A_211, %swap3A_212] : memref<4x1x1024xf32, #tpu.memory_space<smem>>
      %swap3A_214 = arith.constant 2 : index
      %swap3A_215 = arith.constant 0 : index
      %swap3A_216 = arith.index_cast %scan3A_113 : i32 to index
      %swap3A_217 = memref.load %arg4[%swap3A_214, %swap3A_215, %swap3A_216] : memref<4x1x1024xf32, #tpu.memory_space<smem>>
      memref.store %get3A_145, %arg4[%swap3A_214, %swap3A_215, %swap3A_216] : memref<4x1x1024xf32, #tpu.memory_space<smem>>
      %swap3A_218 = arith.constant 2 : index
      %swap3A_219 = arith.constant 0 : index
      %swap3A_220 = arith.index_cast %scan3A_113 : i32 to index
      %swap3A_221 = memref.load %arg5[%swap3A_218, %swap3A_219, %swap3A_220] : memref<4x1x1024xf32, #tpu.memory_space<smem>>
      memref.store %reduce_sum3A_177, %arg5[%swap3A_218, %swap3A_219, %swap3A_220] : memref<4x1x1024xf32, #tpu.memory_space<smem>>
      %swap3A_222 = arith.constant 3 : index
      %swap3A_223 = arith.constant 0 : index
      %swap3A_224 = arith.index_cast %scan3A_113 : i32 to index
      %swap3A_225 = memref.load %arg3[%swap3A_222, %swap3A_223, %swap3A_224] : memref<4x1x1024xf32, #tpu.memory_space<smem>>
      memref.store %get3A_133, %arg3[%swap3A_222, %swap3A_223, %swap3A_224] : memref<4x1x1024xf32, #tpu.memory_space<smem>>
      %swap3A_226 = arith.constant 3 : index
      %swap3A_227 = arith.constant 0 : index
      %swap3A_228 = arith.index_cast %scan3A_113 : i32 to index
      %swap3A_229 = memref.load %arg4[%swap3A_226, %swap3A_227, %swap3A_228] : memref<4x1x1024xf32, #tpu.memory_space<smem>>
      memref.store %get3A_149, %arg4[%swap3A_226, %swap3A_227, %swap3A_228] : memref<4x1x1024xf32, #tpu.memory_space<smem>>
      %swap3A_230 = arith.constant 3 : index
      %swap3A_231 = arith.constant 0 : index
      %swap3A_232 = arith.index_cast %scan3A_113 : i32 to index
      %swap3A_233 = memref.load %arg5[%swap3A_230, %swap3A_231, %swap3A_232] : memref<4x1x1024xf32, #tpu.memory_space<smem>>
      memref.store %reduce_sum3A_185, %arg5[%swap3A_230, %swap3A_231, %swap3A_232] : memref<4x1x1024xf32, #tpu.memory_space<smem>>
      %sub3A = vector.broadcast %get3A_121 : f32 to vector<8x2048xf32>
      %sub3A_234 = arith.subf %get3A_7, %sub3A : vector<8x2048xf32>
      %sub3A_235 = vector.broadcast %get3A_137 : f32 to vector<8x2048xf32>
      %sub3A_236 = arith.subf %get3A_31, %sub3A_235 : vector<8x2048xf32>
      %sub3A_237 = vector.broadcast %reduce_sum3A_161 : f32 to vector<8x2048xf32>
      %sub3A_238 = arith.subf %get3A_55, %sub3A_237 : vector<8x2048xf32>
      %mul3A_239 = arith.mulf %sub3A_234, %sub3A_234 : vector<8x2048xf32>
      %mul3A_240 = arith.mulf %sub3A_236, %sub3A_236 : vector<8x2048xf32>
      %add3A_241 = arith.addf %mul3A_239, %mul3A_240 : vector<8x2048xf32>
      %mul3A_242 = arith.mulf %sub3A_238, %sub3A_238 : vector<8x2048xf32>
      %add3A_243 = arith.addf %add3A_241, %mul3A_242 : vector<8x2048xf32>
      %get3A_244 = arith.constant 0 : index
      %get3A_245 = arith.constant 0 : index
      %get3A_246 = arith.constant 0 : index
      %get3A_247 = vector.load %arg6[%get3A_244, %get3A_245, %get3A_246] : memref<4x8x2048xf32, #tpu.memory_space<vmem>>, vector<1x8x2048xf32>
      %get3A_248 = vector.shape_cast %get3A_247 : vector<1x8x2048xf32> to vector<8x2048xf32>
      %min3A = arith.minimumf %get3A_248, %add3A_243 : vector<8x2048xf32>
      %sub3A_249 = vector.broadcast %get3A_125 : f32 to vector<8x2048xf32>
      %sub3A_250 = arith.subf %get3A_13, %sub3A_249 : vector<8x2048xf32>
      %sub3A_251 = vector.broadcast %get3A_141 : f32 to vector<8x2048xf32>
      %sub3A_252 = arith.subf %get3A_37, %sub3A_251 : vector<8x2048xf32>
      %sub3A_253 = vector.broadcast %reduce_sum3A_169 : f32 to vector<8x2048xf32>
      %sub3A_254 = arith.subf %get3A_61, %sub3A_253 : vector<8x2048xf32>
      %mul3A_255 = arith.mulf %sub3A_250, %sub3A_250 : vector<8x2048xf32>
      %mul3A_256 = arith.mulf %sub3A_252, %sub3A_252 : vector<8x2048xf32>
      %add3A_257 = arith.addf %mul3A_255, %mul3A_256 : vector<8x2048xf32>
      %mul3A_258 = arith.mulf %sub3A_254, %sub3A_254 : vector<8x2048xf32>
      %add3A_259 = arith.addf %add3A_257, %mul3A_258 : vector<8x2048xf32>
      %get3A_260 = arith.constant 1 : index
      %get3A_261 = arith.constant 0 : index
      %get3A_262 = arith.constant 0 : index
      %get3A_263 = vector.load %arg6[%get3A_260, %get3A_261, %get3A_262] : memref<4x8x2048xf32, #tpu.memory_space<vmem>>, vector<1x8x2048xf32>
      %get3A_264 = vector.shape_cast %get3A_263 : vector<1x8x2048xf32> to vector<8x2048xf32>
      %min3A_265 = arith.minimumf %get3A_264, %add3A_259 : vector<8x2048xf32>
      %sub3A_266 = vector.broadcast %get3A_129 : f32 to vector<8x2048xf32>
      %sub3A_267 = arith.subf %get3A_19, %sub3A_266 : vector<8x2048xf32>
      %sub3A_268 = vector.broadcast %get3A_145 : f32 to vector<8x2048xf32>
      %sub3A_269 = arith.subf %get3A_43, %sub3A_268 : vector<8x2048xf32>
      %sub3A_270 = vector.broadcast %reduce_sum3A_177 : f32 to vector<8x2048xf32>
      %sub3A_271 = arith.subf %get3A_67, %sub3A_270 : vector<8x2048xf32>
      %mul3A_272 = arith.mulf %sub3A_267, %sub3A_267 : vector<8x2048xf32>
      %mul3A_273 = arith.mulf %sub3A_269, %sub3A_269 : vector<8x2048xf32>
      %add3A_274 = arith.addf %mul3A_272, %mul3A_273 : vector<8x2048xf32>
      %mul3A_275 = arith.mulf %sub3A_271, %sub3A_271 : vector<8x2048xf32>
      %add3A_276 = arith.addf %add3A_274, %mul3A_275 : vector<8x2048xf32>
      %get3A_277 = arith.constant 2 : index
      %get3A_278 = arith.constant 0 : index
      %get3A_279 = arith.constant 0 : index
      %get3A_280 = vector.load %arg6[%get3A_277, %get3A_278, %get3A_279] : memref<4x8x2048xf32, #tpu.memory_space<vmem>>, vector<1x8x2048xf32>
      %get3A_281 = vector.shape_cast %get3A_280 : vector<1x8x2048xf32> to vector<8x2048xf32>
      %min3A_282 = arith.minimumf %get3A_281, %add3A_276 : vector<8x2048xf32>
      %sub3A_283 = vector.broadcast %get3A_133 : f32 to vector<8x2048xf32>
      %sub3A_284 = arith.subf %get3A_25, %sub3A_283 : vector<8x2048xf32>
      %sub3A_285 = vector.broadcast %get3A_149 : f32 to vector<8x2048xf32>
      %sub3A_286 = arith.subf %get3A_49, %sub3A_285 : vector<8x2048xf32>
      %sub3A_287 = vector.broadcast %reduce_sum3A_185 : f32 to vector<8x2048xf32>
      %sub3A_288 = arith.subf %get3A_73, %sub3A_287 : vector<8x2048xf32>
      %mul3A_289 = arith.mulf %sub3A_284, %sub3A_284 : vector<8x2048xf32>
      %mul3A_290 = arith.mulf %sub3A_286, %sub3A_286 : vector<8x2048xf32>
      %add3A_291 = arith.addf %mul3A_289, %mul3A_290 : vector<8x2048xf32>
      %mul3A_292 = arith.mulf %sub3A_288, %sub3A_288 : vector<8x2048xf32>
      %add3A_293 = arith.addf %add3A_291, %mul3A_292 : vector<8x2048xf32>
      %get3A_294 = arith.constant 3 : index
      %get3A_295 = arith.constant 0 : index
      %get3A_296 = arith.constant 0 : index
      %get3A_297 = vector.load %arg6[%get3A_294, %get3A_295, %get3A_296] : memref<4x8x2048xf32, #tpu.memory_space<vmem>>, vector<1x8x2048xf32>
      %get3A_298 = vector.shape_cast %get3A_297 : vector<1x8x2048xf32> to vector<8x2048xf32>
      %min3A_299 = arith.minimumf %get3A_298, %add3A_293 : vector<8x2048xf32>
      %swap3A_300 = arith.constant 0 : index
      %swap3A_301 = arith.constant 0 : index
      %swap3A_302 = arith.constant 0 : index
      %swap3A_303 = vector.load %arg6[%swap3A_300, %swap3A_301, %swap3A_302] : memref<4x8x2048xf32, #tpu.memory_space<vmem>>, vector<1x8x2048xf32>
      %swap3A_304 = vector.shape_cast %swap3A_303 : vector<1x8x2048xf32> to vector<8x2048xf32>
      %swap3A_305 = vector.shape_cast %min3A : vector<8x2048xf32> to vector<1x8x2048xf32>
      tpu.vector_store %arg6[%swap3A_300, %swap3A_301, %swap3A_302], %swap3A_305 {strides = array<i32>} : memref<4x8x2048xf32, #tpu.memory_space<vmem>>, vector<1x8x2048xf32>,
      %swap3A_306 = arith.constant 1 : index
      %swap3A_307 = arith.constant 0 : index
      %swap3A_308 = arith.constant 0 : index
      %swap3A_309 = vector.load %arg6[%swap3A_306, %swap3A_307, %swap3A_308] : memref<4x8x2048xf32, #tpu.memory_space<vmem>>, vector<1x8x2048xf32>
      %swap3A_310 = vector.shape_cast %swap3A_309 : vector<1x8x2048xf32> to vector<8x2048xf32>
      %swap3A_311 = vector.shape_cast %min3A_265 : vector<8x2048xf32> to vector<1x8x2048xf32>
      tpu.vector_store %arg6[%swap3A_306, %swap3A_307, %swap3A_308], %swap3A_311 {strides = array<i32>} : memref<4x8x2048xf32, #tpu.memory_space<vmem>>, vector<1x8x2048xf32>,
      %swap3A_312 = arith.constant 2 : index
      %swap3A_313 = arith.constant 0 : index
      %swap3A_314 = arith.constant 0 : index
      %swap3A_315 = vector.load %arg6[%swap3A_312, %swap3A_313, %swap3A_314] : memref<4x8x2048xf32, #tpu.memory_space<vmem>>, vector<1x8x2048xf32>
      %swap3A_316 = vector.shape_cast %swap3A_315 : vector<1x8x2048xf32> to vector<8x2048xf32>
      %swap3A_317 = vector.shape_cast %min3A_282 : vector<8x2048xf32> to vector<1x8x2048xf32>
      tpu.vector_store %arg6[%swap3A_312, %swap3A_313, %swap3A_314], %swap3A_317 {strides = array<i32>} : memref<4x8x2048xf32, #tpu.memory_space<vmem>>, vector<1x8x2048xf32>,
      %swap3A_318 = arith.constant 3 : index
      %swap3A_319 = arith.constant 0 : index
      %swap3A_320 = arith.constant 0 : index
      %swap3A_321 = vector.load %arg6[%swap3A_318, %swap3A_319, %swap3A_320] : memref<4x8x2048xf32, #tpu.memory_space<vmem>>, vector<1x8x2048xf32>
      %swap3A_322 = vector.shape_cast %swap3A_321 : vector<1x8x2048xf32> to vector<8x2048xf32>
      %swap3A_323 = vector.shape_cast %min3A_299 : vector<8x2048xf32> to vector<1x8x2048xf32>
      tpu.vector_store %arg6[%swap3A_318, %swap3A_319, %swap3A_320], %swap3A_323 {strides = array<i32>} : memref<4x8x2048xf32, #tpu.memory_space<vmem>>, vector<1x8x2048xf32>,
      %reduce_max3A = vector.shape_cast %min3A : vector<8x2048xf32> to vector<1x8x2048xf32>
      %reduce_max3A_324 = arith.constant dense<0xFF800000> : vector<1xf32>
      %reduce_max3A_325 = vector.multi_reduction <maximumf>, %reduce_max3A, %reduce_max3A_324 [1, 2] : vector<1x8x2048xf32> to vector<1xf32>
      %reduce_max3A_326 = vector.shape_cast %reduce_max3A_325 : vector<1xf32> to vector<1x1x1xf32>
      %reduce_max3A_327 = vector.extract %reduce_max3A_326[0, 0, 0] : f32 from vector<1x1x1xf32>
      %reduce_max3A_328 = vector.shape_cast %min3A_265 : vector<8x2048xf32> to vector<1x8x2048xf32>
      %reduce_max3A_329 = arith.constant dense<0xFF800000> : vector<1xf32>
      %reduce_max3A_330 = vector.multi_reduction <maximumf>, %reduce_max3A_328, %reduce_max3A_329 [1, 2] : vector<1x8x2048xf32> to vector<1xf32>
      %reduce_max3A_331 = vector.shape_cast %reduce_max3A_330 : vector<1xf32> to vector<1x1x1xf32>
      %reduce_max3A_332 = vector.extract %reduce_max3A_331[0, 0, 0] : f32 from vector<1x1x1xf32>
      %reduce_max3A_333 = vector.shape_cast %min3A_282 : vector<8x2048xf32> to vector<1x8x2048xf32>
      %reduce_max3A_334 = arith.constant dense<0xFF800000> : vector<1xf32>
      %reduce_max3A_335 = vector.multi_reduction <maximumf>, %reduce_max3A_333, %reduce_max3A_334 [1, 2] : vector<1x8x2048xf32> to vector<1xf32>
      %reduce_max3A_336 = vector.shape_cast %reduce_max3A_335 : vector<1xf32> to vector<1x1x1xf32>
      %reduce_max3A_337 = vector.extract %reduce_max3A_336[0, 0, 0] : f32 from vector<1x1x1xf32>
      %reduce_max3A_338 = vector.shape_cast %min3A_299 : vector<8x2048xf32> to vector<1x8x2048xf32>
      %reduce_max3A_339 = arith.constant dense<0xFF800000> : vector<1xf32>
      %reduce_max3A_340 = vector.multi_reduction <maximumf>, %reduce_max3A_338, %reduce_max3A_339 [1, 2] : vector<1x8x2048xf32> to vector<1xf32>
      %reduce_max3A_341 = vector.shape_cast %reduce_max3A_340 : vector<1xf32> to vector<1x1x1xf32>
      %reduce_max3A_342 = vector.extract %reduce_max3A_341[0, 0, 0] : f32 from vector<1x1x1xf32>
      %eq3A_343 = vector.broadcast %reduce_max3A_327 : f32 to vector<8x2048xf32>
      %eq3A_344 = arith.cmpf oeq, %min3A, %eq3A_343 : vector<8x2048xf32>
      %jit3A_345 = arith.constant 16384 : i32
      %broadcast_in_dim3A_346 = vector.broadcast %jit3A_345 : i32 to vector<8x2048xi32>
      %select_n3A_347 = arith.select %eq3A_344, %add3A, %broadcast_in_dim3A_346 : vector<8x2048xi1>, vector<8x2048xi32>
      %reduce_min3A = vector.shape_cast %select_n3A_347 : vector<8x2048xi32> to vector<1x8x2048xi32>
      %reduce_min3A_348 = arith.constant dense<2147483647> : vector<1xi32>
      %reduce_min3A_349 = vector.multi_reduction <minsi>, %reduce_min3A, %reduce_min3A_348 [1, 2] : vector<1x8x2048xi32> to vector<1xi32>
      %reduce_min3A_350 = vector.shape_cast %reduce_min3A_349 : vector<1xi32> to vector<1x1x1xi32>
      %reduce_min3A_351 = vector.extract %reduce_min3A_350[0, 0, 0] : i32 from vector<1x1x1xi32>
      %eq3A_352 = vector.broadcast %reduce_max3A_332 : f32 to vector<8x2048xf32>
      %eq3A_353 = arith.cmpf oeq, %min3A_265, %eq3A_352 : vector<8x2048xf32>
      %jit3A_354 = arith.constant 16384 : i32
      %broadcast_in_dim3A_355 = vector.broadcast %jit3A_354 : i32 to vector<8x2048xi32>
      %select_n3A_356 = arith.select %eq3A_353, %add3A, %broadcast_in_dim3A_355 : vector<8x2048xi1>, vector<8x2048xi32>
      %reduce_min3A_357 = vector.shape_cast %select_n3A_356 : vector<8x2048xi32> to vector<1x8x2048xi32>
      %reduce_min3A_358 = arith.constant dense<2147483647> : vector<1xi32>
      %reduce_min3A_359 = vector.multi_reduction <minsi>, %reduce_min3A_357, %reduce_min3A_358 [1, 2] : vector<1x8x2048xi32> to vector<1xi32>
      %reduce_min3A_360 = vector.shape_cast %reduce_min3A_359 : vector<1xi32> to vector<1x1x1xi32>
      %reduce_min3A_361 = vector.extract %reduce_min3A_360[0, 0, 0] : i32 from vector<1x1x1xi32>
      %eq3A_362 = vector.broadcast %reduce_max3A_337 : f32 to vector<8x2048xf32>
      %eq3A_363 = arith.cmpf oeq, %min3A_282, %eq3A_362 : vector<8x2048xf32>
      %jit3A_364 = arith.constant 16384 : i32
      %broadcast_in_dim3A_365 = vector.broadcast %jit3A_364 : i32 to vector<8x2048xi32>
      %select_n3A_366 = arith.select %eq3A_363, %add3A, %broadcast_in_dim3A_365 : vector<8x2048xi1>, vector<8x2048xi32>
      %reduce_min3A_367 = vector.shape_cast %select_n3A_366 : vector<8x2048xi32> to vector<1x8x2048xi32>
      %reduce_min3A_368 = arith.constant dense<2147483647> : vector<1xi32>
      %reduce_min3A_369 = vector.multi_reduction <minsi>, %reduce_min3A_367, %reduce_min3A_368 [1, 2] : vector<1x8x2048xi32> to vector<1xi32>
      %reduce_min3A_370 = vector.shape_cast %reduce_min3A_369 : vector<1xi32> to vector<1x1x1xi32>
      %reduce_min3A_371 = vector.extract %reduce_min3A_370[0, 0, 0] : i32 from vector<1x1x1xi32>
      %eq3A_372 = vector.broadcast %reduce_max3A_342 : f32 to vector<8x2048xf32>
      %eq3A_373 = arith.cmpf oeq, %min3A_299, %eq3A_372 : vector<8x2048xf32>
      %jit3A_374 = arith.constant 16384 : i32
      %broadcast_in_dim3A_375 = vector.broadcast %jit3A_374 : i32 to vector<8x2048xi32>
      %select_n3A_376 = arith.select %eq3A_373, %add3A, %broadcast_in_dim3A_375 : vector<8x2048xi1>, vector<8x2048xi32>
      %reduce_min3A_377 = vector.shape_cast %select_n3A_376 : vector<8x2048xi32> to vector<1x8x2048xi32>
      %reduce_min3A_378 = arith.constant dense<2147483647> : vector<1xi32>
      %reduce_min3A_379 = vector.multi_reduction <minsi>, %reduce_min3A_377, %reduce_min3A_378 [1, 2] : vector<1x8x2048xi32> to vector<1xi32>
      %reduce_min3A_380 = vector.shape_cast %reduce_min3A_379 : vector<1xi32> to vector<1x1x1xi32>
      %reduce_min3A_381 = vector.extract %reduce_min3A_380[0, 0, 0] : i32 from vector<1x1x1xi32>
      scf.yield %reduce_min3A_351, %reduce_min3A_361, %reduce_min3A_371, %reduce_min3A_381 : i32, i32, i32, i32
    }
    %scan3A_112 = arith.constant 1024 : i32
    return
  }
  func.func @transform_0(%arg0: i32) -> (i32, i32, i32, i32) {
    %c0_i32 = arith.constant 0 : i32
    %c0_i32_0 = arith.constant 0 : i32
    %c0_i32_1 = arith.constant 0 : i32
    %c0_i32_2 = arith.constant 0 : i32
    %c0_i32_3 = arith.constant 0 : i32
    return %c0_i32, %c0_i32_0, %c0_i32_1, %c0_i32_2 : i32, i32, i32, i32
  }
  func.func @transform_1(%arg0: i32) -> (i32, i32, i32) {
    %c0_i32 = arith.constant 0 : i32
    %c0_i32_0 = arith.constant 0 : i32
    %c0_i32_1 = arith.constant 0 : i32
    %c0_i32_2 = arith.constant 0 : i32
    return %c0_i32, %c0_i32_0, %c0_i32_1 : i32, i32, i32
  }
  func.func @transform_2(%arg0: i32) -> (i32, i32, i32) {
    %c0_i32 = arith.constant 0 : i32
    %c0_i32_0 = arith.constant 0 : i32
    %c0_i32_1 = arith.constant 0 : i32
    %c0_i32_2 = arith.constant 0 : i32
    return %c0_i32, %c0_i32_0, %c0_i32_1 : i32, i32, i32
  }
  func.func @transform_3(%arg0: i32) -> (i32, i32, i32) {
    %c0_i32 = arith.constant 0 : i32
    %c0_i32_0 = arith.constant 0 : i32
    %c0_i32_1 = arith.constant 0 : i32
    %c0_i32_2 = arith.constant 0 : i32
    return %c0_i32, %c0_i32_0, %c0_i32_1 : i32, i32, i32
  }
  func.func @transform_4(%arg0: i32) -> (i32, i32, i32) {
    %c0_i32 = arith.constant 0 : i32
    %c0_i32_0 = arith.constant 0 : i32
    %c0_i32_1 = arith.constant 0 : i32
    %c0_i32_2 = arith.constant 0 : i32
    return %c0_i32, %c0_i32_0, %c0_i32_1 : i32, i32, i32
  }
}

module attributes {stable_mosaic.version = 14 : i64} {
  func.func @_mlp_body(%arg0: i32, %arg1: i32, %arg2: memref<1x128x512xf32, #tpu.memory_space<vmem>>, %arg3: memref<32x4xf32, #tpu.memory_space<vmem>>, %arg4: memref<32x1xf32, #tpu.memory_space<vmem>>, %arg5: memref<32x32xf32, #tpu.memory_space<vmem>>, %arg6: memref<32x1xf32, #tpu.memory_space<vmem>>, %arg7: memref<64x32xf32, #tpu.memory_space<vmem>>, %arg8: memref<64x1xf32, #tpu.memory_space<vmem>>, %arg9: memref<1x64x512xf32, #tpu.memory_space<vmem>>) attributes {dimension_semantics = [#tpu.dimension_semantics<arbitrary>, #tpu.dimension_semantics<arbitrary>], iteration_bounds = array<i64: 4, 2>, scalar_prefetch = 0 : i64, scratch_operands = 0 : i64, tpu.core_type = #tpu.core_type<tc>, window_params = [{transform_indices = @transform_0, window_bounds = array<i64: 1, 128, 512>}, {pipeline_mode = #tpu.pipeline_mode<synchronous>, transform_indices = @transform_1, window_bounds = array<i64: 32, 4>}, {pipeline_mode = #tpu.pipeline_mode<synchronous>, transform_indices = @transform_2, window_bounds = array<i64: 32, 1>}, {pipeline_mode = #tpu.pipeline_mode<synchronous>, transform_indices = @transform_3, window_bounds = array<i64: 32, 32>}, {pipeline_mode = #tpu.pipeline_mode<synchronous>, transform_indices = @transform_4, window_bounds = array<i64: 32, 1>}, {pipeline_mode = #tpu.pipeline_mode<synchronous>, transform_indices = @transform_5, window_bounds = array<i64: 64, 32>}, {pipeline_mode = #tpu.pipeline_mode<synchronous>, transform_indices = @transform_6, window_bounds = array<i64: 64, 1>}, {transform_indices = @transform_7, window_bounds = array<i64: 1, 64, 512>}]} {
    %get3A = arith.constant 0 : index
    %get3A_0 = arith.constant 0 : index
    %get3A_1 = vector.load %arg3[%get3A, %get3A_0] : memref<32x4xf32, #tpu.memory_space<vmem>>, vector<32x4xf32>
    %get3A_2 = arith.constant 0 : index
    %get3A_3 = arith.constant 0 : index
    %get3A_4 = vector.load %arg4[%get3A_2, %get3A_3] : memref<32x1xf32, #tpu.memory_space<vmem>>, vector<32x1xf32>
    %get3A_5 = arith.constant 0 : index
    %get3A_6 = arith.constant 0 : index
    %get3A_7 = vector.load %arg5[%get3A_5, %get3A_6] : memref<32x32xf32, #tpu.memory_space<vmem>>, vector<32x32xf32>
    %get3A_8 = arith.constant 0 : index
    %get3A_9 = arith.constant 0 : index
    %get3A_10 = vector.load %arg6[%get3A_8, %get3A_9] : memref<32x1xf32, #tpu.memory_space<vmem>>, vector<32x1xf32>
    %get3A_11 = arith.constant 0 : index
    %get3A_12 = arith.constant 0 : index
    %get3A_13 = vector.load %arg7[%get3A_11, %get3A_12] : memref<64x32xf32, #tpu.memory_space<vmem>>, vector<64x32xf32>
    %get3A_14 = arith.constant 0 : index
    %get3A_15 = arith.constant 0 : index
    %get3A_16 = vector.load %arg8[%get3A_14, %get3A_15] : memref<64x1xf32, #tpu.memory_space<vmem>>, vector<64x1xf32>
    %broadcast_in_dim3A = arith.constant 0.000000e+00 : f32
    %broadcast_in_dim3A_17 = vector.broadcast %broadcast_in_dim3A : f32 to vector<64x512xf32>
    %scan3A = arith.constant 0 : i32
    %scan3A_18 = arith.constant 16 : i32
    %scan3A_19 = arith.addi %scan3A, %scan3A_18 : i32
    %scan3A_20 = arith.constant 1 : i32
    %scan3A_21 = scf.for %scan3A_28 = %scan3A to %scan3A_19 step %scan3A_20 iter_args(%scan3A_29 = %broadcast_in_dim3A_17) -> (vector<64x512xf32>)  : i32 {
      %mul3A = arith.constant 8 : i32
      %mul3A_30 = arith.muli %scan3A_28, %mul3A : i32
      %get3A_31 = arith.constant 0 : index
      %get3A_32 = arith.index_cast %mul3A_30 : i32 to index
      %get3A_33 = arith.constant 0 : index
      %get3A_34 = vector.load %arg2[%get3A_31, %get3A_32, %get3A_33] : memref<1x128x512xf32, #tpu.memory_space<vmem>>, vector<1x8x512xf32>
      %get3A_35 = vector.shape_cast %get3A_34 : vector<1x8x512xf32> to vector<8x512xf32>
      %slice3A = vector.extract_strided_slice %get3A_35 {offsets = [0, 0], sizes = [4, 512], strides = [1, 1]} : vector<8x512xf32> to vector<4x512xf32>
      %dot_general3A = arith.constant dense<0.000000e+00> : vector<32x512xf32>
      %dot_general3A_36 = tpu.matmul %get3A_1, %slice3A, %dot_general3A {dimension_numbers = #tpu.dot_dimension_numbers<[1], [0], [0], [1], [0, 0, 1, 1], [], []>, transpose_lhs_hint = false} : vector<32x4xf32>, vector<4x512xf32>, vector<32x512xf32> -> vector<32x512xf32>
      %add3A = vector.broadcast %get3A_4 : vector<32x1xf32> to vector<32x512xf32>
      %add3A_37 = arith.addf %dot_general3A_36, %add3A : vector<32x512xf32>
      %max3A = arith.constant 0.000000e+00 : f32
      %max3A_38 = vector.broadcast %max3A : f32 to vector<32x512xf32>
      %max3A_39 = arith.maximumf %add3A_37, %max3A_38 : vector<32x512xf32>
      %dot_general3A_40 = arith.constant dense<0.000000e+00> : vector<32x512xf32>
      %dot_general3A_41 = tpu.matmul %get3A_7, %max3A_39, %dot_general3A_40 {dimension_numbers = #tpu.dot_dimension_numbers<[1], [0], [0], [1], [0, 0, 1, 1], [], []>, transpose_lhs_hint = false} : vector<32x32xf32>, vector<32x512xf32>, vector<32x512xf32> -> vector<32x512xf32>
      %add3A_42 = vector.broadcast %get3A_10 : vector<32x1xf32> to vector<32x512xf32>
      %add3A_43 = arith.addf %dot_general3A_41, %add3A_42 : vector<32x512xf32>
      %max3A_44 = arith.constant 0.000000e+00 : f32
      %max3A_45 = vector.broadcast %max3A_44 : f32 to vector<32x512xf32>
      %max3A_46 = arith.maximumf %add3A_43, %max3A_45 : vector<32x512xf32>
      %dot_general3A_47 = arith.constant dense<0.000000e+00> : vector<64x512xf32>
      %dot_general3A_48 = tpu.matmul %get3A_13, %max3A_46, %dot_general3A_47 {dimension_numbers = #tpu.dot_dimension_numbers<[1], [0], [0], [1], [0, 0, 1, 1], [], []>, transpose_lhs_hint = false} : vector<64x32xf32>, vector<32x512xf32>, vector<64x512xf32> -> vector<64x512xf32>
      %add3A_49 = vector.broadcast %get3A_16 : vector<64x1xf32> to vector<64x512xf32>
      %add3A_50 = arith.addf %dot_general3A_48, %add3A_49 : vector<64x512xf32>
      %max3A_51 = arith.constant 0.000000e+00 : f32
      %max3A_52 = vector.broadcast %max3A_51 : f32 to vector<64x512xf32>
      %max3A_53 = arith.maximumf %add3A_50, %max3A_52 : vector<64x512xf32>
      %max3A_54 = arith.maximumf %scan3A_29, %max3A_53 : vector<64x512xf32>
      %slice3A_55 = vector.extract_strided_slice %get3A_35 {offsets = [4, 0], sizes = [4, 512], strides = [1, 1]} : vector<8x512xf32> to vector<4x512xf32>
      %dot_general3A_56 = arith.constant dense<0.000000e+00> : vector<32x512xf32>
      %dot_general3A_57 = tpu.matmul %get3A_1, %slice3A_55, %dot_general3A_56 {dimension_numbers = #tpu.dot_dimension_numbers<[1], [0], [0], [1], [0, 0, 1, 1], [], []>, transpose_lhs_hint = false} : vector<32x4xf32>, vector<4x512xf32>, vector<32x512xf32> -> vector<32x512xf32>
      %add3A_58 = vector.broadcast %get3A_4 : vector<32x1xf32> to vector<32x512xf32>
      %add3A_59 = arith.addf %dot_general3A_57, %add3A_58 : vector<32x512xf32>
      %max3A_60 = arith.constant 0.000000e+00 : f32
      %max3A_61 = vector.broadcast %max3A_60 : f32 to vector<32x512xf32>
      %max3A_62 = arith.maximumf %add3A_59, %max3A_61 : vector<32x512xf32>
      %dot_general3A_63 = arith.constant dense<0.000000e+00> : vector<32x512xf32>
      %dot_general3A_64 = tpu.matmul %get3A_7, %max3A_62, %dot_general3A_63 {dimension_numbers = #tpu.dot_dimension_numbers<[1], [0], [0], [1], [0, 0, 1, 1], [], []>, transpose_lhs_hint = false} : vector<32x32xf32>, vector<32x512xf32>, vector<32x512xf32> -> vector<32x512xf32>
      %add3A_65 = vector.broadcast %get3A_10 : vector<32x1xf32> to vector<32x512xf32>
      %add3A_66 = arith.addf %dot_general3A_64, %add3A_65 : vector<32x512xf32>
      %max3A_67 = arith.constant 0.000000e+00 : f32
      %max3A_68 = vector.broadcast %max3A_67 : f32 to vector<32x512xf32>
      %max3A_69 = arith.maximumf %add3A_66, %max3A_68 : vector<32x512xf32>
      %dot_general3A_70 = arith.constant dense<0.000000e+00> : vector<64x512xf32>
      %dot_general3A_71 = tpu.matmul %get3A_13, %max3A_69, %dot_general3A_70 {dimension_numbers = #tpu.dot_dimension_numbers<[1], [0], [0], [1], [0, 0, 1, 1], [], []>, transpose_lhs_hint = false} : vector<64x32xf32>, vector<32x512xf32>, vector<64x512xf32> -> vector<64x512xf32>
      %add3A_72 = vector.broadcast %get3A_16 : vector<64x1xf32> to vector<64x512xf32>
      %add3A_73 = arith.addf %dot_general3A_71, %add3A_72 : vector<64x512xf32>
      %max3A_74 = arith.constant 0.000000e+00 : f32
      %max3A_75 = vector.broadcast %max3A_74 : f32 to vector<64x512xf32>
      %max3A_76 = arith.maximumf %add3A_73, %max3A_75 : vector<64x512xf32>
      %max3A_77 = arith.maximumf %max3A_54, %max3A_76 : vector<64x512xf32>
      scf.yield %max3A_77 : vector<64x512xf32>
    }
    %scan3A_22 = arith.constant 16 : i32
    %swap3A = arith.constant 0 : index
    %swap3A_23 = arith.constant 0 : index
    %swap3A_24 = arith.constant 0 : index
    %swap3A_25 = vector.load %arg9[%swap3A, %swap3A_23, %swap3A_24] : memref<1x64x512xf32, #tpu.memory_space<vmem>>, vector<1x64x512xf32>
    %swap3A_26 = vector.shape_cast %swap3A_25 : vector<1x64x512xf32> to vector<64x512xf32>
    %swap3A_27 = vector.shape_cast %scan3A_21 : vector<64x512xf32> to vector<1x64x512xf32>
    tpu.vector_store %arg9[%swap3A, %swap3A_23, %swap3A_24], %swap3A_27 {strides = array<i32>} : memref<1x64x512xf32, #tpu.memory_space<vmem>>, vector<1x64x512xf32>,
    return
  }
  func.func @transform_0(%arg0: i32, %arg1: i32) -> (i32, i32, i32) {
    %c0_i32 = arith.constant 0 : i32
    %c0_i32_0 = arith.constant 0 : i32
    return %arg0, %c0_i32, %arg1 : i32, i32, i32
  }
  func.func @transform_1(%arg0: i32, %arg1: i32) -> (i32, i32) {
    %c0_i32 = arith.constant 0 : i32
    %c0_i32_0 = arith.constant 0 : i32
    %c0_i32_1 = arith.constant 0 : i32
    return %c0_i32, %c0_i32_0 : i32, i32
  }
  func.func @transform_2(%arg0: i32, %arg1: i32) -> (i32, i32) {
    %c0_i32 = arith.constant 0 : i32
    %c0_i32_0 = arith.constant 0 : i32
    %c0_i32_1 = arith.constant 0 : i32
    return %c0_i32, %c0_i32_0 : i32, i32
  }
  func.func @transform_3(%arg0: i32, %arg1: i32) -> (i32, i32) {
    %c0_i32 = arith.constant 0 : i32
    %c0_i32_0 = arith.constant 0 : i32
    %c0_i32_1 = arith.constant 0 : i32
    return %c0_i32, %c0_i32_0 : i32, i32
  }
  func.func @transform_4(%arg0: i32, %arg1: i32) -> (i32, i32) {
    %c0_i32 = arith.constant 0 : i32
    %c0_i32_0 = arith.constant 0 : i32
    %c0_i32_1 = arith.constant 0 : i32
    return %c0_i32, %c0_i32_0 : i32, i32
  }
  func.func @transform_5(%arg0: i32, %arg1: i32) -> (i32, i32) {
    %c0_i32 = arith.constant 0 : i32
    %c0_i32_0 = arith.constant 0 : i32
    %c0_i32_1 = arith.constant 0 : i32
    return %c0_i32, %c0_i32_0 : i32, i32
  }
  func.func @transform_6(%arg0: i32, %arg1: i32) -> (i32, i32) {
    %c0_i32 = arith.constant 0 : i32
    %c0_i32_0 = arith.constant 0 : i32
    %c0_i32_1 = arith.constant 0 : i32
    return %c0_i32, %c0_i32_0 : i32, i32
  }
  func.func @transform_7(%arg0: i32, %arg1: i32) -> (i32, i32, i32) {
    %c0_i32 = arith.constant 0 : i32
    %c0_i32_0 = arith.constant 0 : i32
    return %arg0, %c0_i32, %arg1 : i32, i32, i32
  }
}

</mosaic_0001>

<sc_bundles>
// kernel: kernel.5.cloned.1.call-start
scs
__scs_entry_jumppad:
0x0: {  	(pc) =	sbr.rel $0x88, $3  }
0x1: {  	(tag) =	ssettag $0x0;
	lr =	simm.s32 $0x1  }
0x2: {  	[smem:$0x3F99] =	sst lr;
	_ =	strace $0xD0000000  }
0x3: {  	_ = 	snop  }
0x4: {  	_ = 	snop  }
0x5: {  	_ = 	snop  }
0x6: {  	_ = 	snop  }
0x7: {  	_ = 	snop  }
__scs_overlays_trampoline_lowered:
0x8: {  	[smem:$0x3FA8] =	sst s0  }
0x9: {  	[smem:$0x3FA9] =	sst s1  }
0xa: {  	[smem:$0x3FAA] =	sst s2  }
0xb: {  	[smem:$0x3FAB] =	sst s3  }
0xc: {  	[smem:$0x3FAC] =	sst s4  }
0xd: {  	[smem:$0x3FAD] =	sst s5  }
0xe: {  	[smem:$0x3FAE] =	sst s6  }
0xf: {  	[smem:$0x3FAF] =	sst s7  }
0x10: {  	[smem:$0x3FB0] =	sst s8  }
0x11: {  	[smem:$0x3FB1] =	sst s9;
	s0 =	simm.s32 @!p0 $0x0  }
0x12: {  	s1 =	sld [smem:$0x3F97];
	s0 =	simm.s32 @p0 $0x1  }
0x13: {  	[smem:$0x3FB2] =	sst s0;
	s0 =	simm.s32 @!p1 $0x0  }
0x14: {  	s2 =	sld [smem:$0x3F96];
	s0 =	simm.s32 @p1 $0x1  }
0x15: {  	[smem:$0x3FB3] =	sst s0;
	s0 =	simm.s32 @!p2 $0x0  }
0x16: {  	s3 =	sld [smem:$0x3FDB];
	s0 =	simm.s32 @p2 $0x1  }
0x17: {  	s4 =	simm.s32 $0x1BF5;
	[smem:$0x3FB5] =	sst s0  }
0x18: {  	s0 =	sld [smem:$0x3F98];
	_ =	swait.ge [sflag:s4], $0x0  }
0x19: {  	s7 =	sld [smem:$0x3F99]  }
0x1a: {  	s8 =	sadd.s32 $0xFFFFE003, lr  }
0x1b: {  	s9 =	sadd.s32 $0xFFFFFEF7, lr;
	s5 =	simm.s32 $0xFFFFFFFF;
	p2 =	slt.u32 s8, $0xFFFFF086  }
0x1c: {  	p1 =	slt.u32 s9, $0xF7A;
	s5 =	simm.s32 @!p2 $0x0  }
0x1d: {  	s5 =	simm.s32 @p1 $0x1;
	p0 =	seq.s32 s7, s2  }
0x1e: {  	s7 =	smul.u32 @!p0 $0xF7A, s2;
	p2 =	seq.s32 @!p0 s5, $0x0  }
0x1f: {  	s9 =	smul.u32 $0xF7A, s1;
	s8 =	simm.s32 @!p0 $0x1BF5;
	p2 =	por !p2, p0  }
0x20: {  	[sflag:s8] =	ssyncset.s32 @!p0 $0xFFFFF086;
	s6 =	sadd.s32 @!p0 s3, s7;
	s7 =	simm.s32 @!p0 $0x108  }
0x21: {  	s3 =	sadd.s32 s3, s9;
	s6 =	sadd.s32 @!p0 $0x88, s6;
	s7 =	simm.s32 @p2 $0x1082  }
0x22: {  	[simem:s7], [sflag:s8] =	dma.local @!p0 [hbm:s6], $0xF7A  }
0x23: {  	s9 =	sor.u32 $0xD0000000, s2;
	s6 =	simm.s32 $0x108;
	_ =	swait.ge @!p0 [sflag:s8], $0x0  }
0x24: {  	s3 =	sadd.s32 $0x88, s3;
	s6 =	simm.s32 @!p1 $0x1082;
	[sflag:s4] =	ssyncset.s32 $0xFFFFF086  }
0x25: {  	[simem:s6], [sflag:s4] =	dma.local [hbm:s3], $0xF7A  }
0x26: {  	[smem:$0x3F99] =	sst s1;
	(tag) =	ssettag s2;
	_ =	strace s9  }
0x27: {  	s1 =	sld [smem:$0x3FA9]  }
0x28: {  	s2 =	sld [smem:$0x3FAA]  }
0x29: {  	s4 =	sld [smem:$0x3FAC]  }
0x2a: {  	p0 =	seq.s32 s5, $0x0;
	s5 =	sld [smem:$0x3FAD]  }
0x2b: {  	s6 =	sld [smem:$0x3FAE]  }
0x2c: {  	s7 =	sld [smem:$0x3FAF]  }
0x2d: {  	s3 =	simm.s32 $0x108;
	s8 =	sld [smem:$0x3FB0]  }
0x2e: {  	s3 =	simm.s32 @!p0 $0x1082;
	s9 =	sld [smem:$0x3FB1]  }
0x2f: {  	lr =	sadd.s32 s0, s3;
	s0 =	sld [smem:$0x3FA8]  }
0x30: {  	s3 =	sld [smem:$0x3FAB]  }
0x31: {  	[smem:$0x3FB4] =	sst s10  }
0x32: {  	s10 =	sld [smem:$0x3FB2];
	_ =	sdelay $0x3  }
0x33: {  	p0 =	seq.s32 s10, $0x1;
	s10 =	sld [smem:$0x3FB4];
	_ =	sdelay $0x3  }
0x34: {  	[smem:$0x3FB4] =	sst s10  }
0x35: {  	s10 =	sld [smem:$0x3FB3];
	_ =	sdelay $0x3  }
0x36: {  	p1 =	seq.s32 s10, $0x1;
	s10 =	sld [smem:$0x3FB4];
	_ =	sdelay $0x3  }
0x37: {  	[smem:$0x3FB4] =	sst s10  }
0x38: {  	s10 =	sld [smem:$0x3FB5]  }
0x39: {  	_ = 	snop;
	(pc) =	sbr.ind lr, $3  }
0x3a: {  	_ = 	snop  }
0x3b: {  	_ = 	snop  }
0x3c: {  	p2 =	seq.s32 s10, $0x1;
	s10 =	sld [smem:$0x3FB4]  }
0x3d: {  	_ =	shalt  }
0x3e: {  	_ =	shalt  }
0x3f: {  	_ =	shalt  }
0x40: {  	_ =	shalt  }
0x41: {  	_ =	shalt  }
0x42: {  	_ =	shalt  }
0x43: {  	_ =	shalt  }
0x44: {  	_ =	shalt  }
0x45: {  	_ =	shalt  }
0x46: {  	_ =	shalt  }
0x47: {  	_ =	shalt  }
0x48: {  	_ =	shalt  }
0x49: {  	_ =	shalt  }
0x4a: {  	_ =	shalt  }
0x4b: {  	_ =	shalt  }
0x4c: {  	_ =	shalt  }
0x4d: {  	_ =	shalt  }
0x4e: {  	_ =	shalt  }
0x4f: {  	_ =	shalt  }
0x50: {  	_ =	shalt  }
0x51: {  	_ =	shalt  }
0x52: {  	_ =	shalt  }
0x53: {  	_ =	shalt  }
0x54: {  	_ =	shalt  }
0x55: {  	_ =	shalt  }
0x56: {  	_ =	shalt  }
0x57: {  	_ =	shalt  }
0x58: {  	_ =	shalt  }
0x59: {  	_ =	shalt  }
0x5a: {  	_ =	shalt  }
0x5b: {  	_ =	shalt  }
0x5c: {  	_ =	shalt  }
0x5d: {  	_ =	shalt  }
0x5e: {  	_ =	shalt  }
0x5f: {  	_ =	shalt  }
0x60: {  	_ =	shalt  }
0x61: {  	_ =	shalt  }
0x62: {  	_ =	shalt  }
0x63: {  	_ =	shalt  }
0x64: {  	_ =	shalt  }
0x65: {  	_ =	shalt  }
0x66: {  	_ =	shalt  }
0x67: {  	_ =	shalt  }
0x68: {  	_ =	shalt  }
0x69: {  	_ =	shalt  }
0x6a: {  	_ =	shalt  }
0x6b: {  	_ =	shalt  }
0x6c: {  	_ =	shalt  }
0x6d: {  	_ =	shalt  }
0x6e: {  	_ =	shalt  }
0x6f: {  	_ =	shalt  }
0x70: {  	_ =	shalt  }
0x71: {  	_ =	shalt  }
0x72: {  	_ =	shalt  }
0x73: {  	_ =	shalt  }
0x74: {  	_ =	shalt  }
0x75: {  	_ =	shalt  }
0x76: {  	_ =	shalt  }
0x77: {  	_ =	shalt  }
0x78: {  	_ =	shalt  }
0x79: {  	_ =	shalt  }
0x7a: {  	_ =	shalt  }
0x7b: {  	_ =	shalt  }
0x7c: {  	_ =	shalt  }
0x7d: {  	_ =	shalt  }
0x7e: {  	_ =	shalt  }
0x7f: {  	_ =	shalt  }
0x80: {  	_ =	shalt  }
0x81: {  	_ =	shalt  }
0x82: {  	_ =	shalt  }
0x83: {  	_ =	shalt  }
0x84: {  	_ =	shalt  }
0x85: {  	_ =	shalt  }
0x86: {  	_ =	shalt  }
0x87: {  	_ =	shalt  }
.Lfunc_end0:
.L_simem_size_0:
called_computation_lowered:
.L_overlay_start_0:
0x88: {  	s2 =	sld [smem:$0x3FD9]  }
0x89: {  	s3 =	sld [smem:$0x3FFE];
	_ =	sdelay $0x1  }
0x8a: {  	s1 =	srdreg.scid  }
0x8b: {  	s0 =	sand.u32 $0x1, s1  }
0x8c: {  	s14 =	sshll.u32 s0, $0xA;
	s2 =	sadd.s32 s3, s2  }
0x8d: {  	s2 =	sadd.s32 s2, s14  }
0x8e: {  	[smem:$0x3FC0] =	sst s2  }
0x8f: {  	_ = 	snop  }
0x90: {  	s2 =	sld [smem:$0x3FD0];
	_ =	sdelay $0x2  }
0x91: {  	s15 =	simm.s32 $0xA;
	s4 =	simm.s32 $0x10  }
0x92: {  	[smem:s4], [sflag:s15] =	dma.local [hbm:s2], $0x1  }
0x93: {  	_ =	swait.eq [sflag:s15], $0x1  }
0x94: {  	[sflag:s15] =	ssyncset.done $0x0  }
0x95: {  	[sflag:s15] =	ssyncadd.s32 $0xFFFFFFFF  }
0x96: {  	s16 =	sld [smem:$0x11];
	(tm) =	ssettm $0x1  }
0x97: {  	s17 =	sld [smem:$0x3FFB];
	_ =	sdelay $0x3  }
0x98: {  	_ =	strace s17  }
0x99: {  	s3 =	sld [smem:$0x3FFC];
	_ =	sdelay $0x3  }
0x9a: {  	_ =	strace s3  }
0x9b: {  	s3 =	sld [smem:$0x3FFD];
	_ =	sdelay $0x3  }
0x9c: {  	_ =	strace s3  }
0x9d: {  	_ =	strace $0x8FFFFFFF  }
0x9e: {  	s18 =	sld [smem:$0x3FDB];
	_ =	sdelay $0x1  }
0x9f: {  	s19 =	simm.s32 $_scs_section_size  }
0xa0: {  	s5 =	simm.s32 $_size__tile_overlayer_lowered;
	s6 =	simm.s32 $_tile_overlayer_lowered  }
0xa1: {  	s22 =	simm.s32 $0x1BFF;
	s21 =	sshll.u32 s6, $0x1;
	s3 =	sadd.s32 s19, s18  }
0xa2: {  	s7 =	simm.s32 $0x0;
	s20 =	sshll.u32 s5, $0x1;
	s5 =	sadd.s32 s21, s3  }
0xa3: {  	[timem:s7], [sflag:s22] =	dma.local [hbm:s5], s20  }
0xa4: {  	_ =	swait.ge [sflag:s22], s20  }
0xa5: {  	s4 =	ssub.s32 $0x0, s20;
	[sflag:s22] =	ssyncset.done $0x0  }
0xa6: {  	[sflag:s22] =	ssyncadd.s32 s4;
	_ =	sdelay $0x1  }
0xa7: {  	s23 =	simm.s32 $0x1B8B  }
0xa8: {  	_ =	swait.ge [sflag:s23], $0x1  }
0xa9: {  	[sflag:s23] =	ssyncset.done $0x0  }
0xaa: {  	s25 =	simm.s32 $0x1B8E;
	s24 =	sld [smem:$0x3FFE];
	[sflag:s23] =	ssyncadd.s32 $0xFFFFFFFF  }
0xab: {  	s26 =	simm.s32 $execute0_lowered;
	[smem:$0x3FD2] =	sst s25  }
0xac: {  	s5 =	sshll.u32 s26, $0x1;
	_ =	strace $0x80000046;
	[dreg:$0x1] =	wrdreg $0xFFFFFFFF  }
0xad: {  	s28 =	simm.s32 $_size_execute0_lowered;
	s3 =	sadd.s32 s3, s5;
	[dreg:$0x0] =	wrdreg $0x0  }
0xae: {  	s5 =	sshll.u32 s28, $0x1;
	[dreg:$0x2] =	wrdreg s3  }
0xaf: {  	[dreg:$0x3] =	wrdreg s5  }
0xb0: {  	[dreg:$0x4] =	wrdreg $0xC0  }
0xb1: {  	_ =	task [dreg:s7], $0x5FFFF  }
0xb2: {  	[dreg:$0x1] =	wrdreg $0xFFFFFFFF  }
0xb3: {  	[dreg:$0x0] =	wrdreg $0x60  }
0xb4: {  	[dreg:$0x2] =	wrdreg s24  }
0xb5: {  	[dreg:$0x3] =	wrdreg s16  }
0xb6: {  	[dreg:$0x4] =	wrdreg $0x9  }
0xb7: {  	_ =	task.clear_ibuf [dreg:s7], $0x5FFFF;
	_ =	strace $0x90000046  }
0xb8: {  	s29 =	simm.s32 $0x9;
	_ =	strace $0x80000048  }
0xb9: {  	_ =	swait.ge [sflag:s29], $0x1  }
0xba: {  	[sflag:s29] =	ssyncadd.s32 $0xFFFFFFFF  }
0xbb: {  	_ =	strace $0x90000048  }
0xbc: {  	_ =	sfence  }
0xbd: {  	s30 =	sld [smem:$0x0];
	_ =	sdelay $0x2  }
0xbe: {  	s31 =	sshll.u32 s1, $0xD;
	s1 =	sshrl.u32 s1, $0x2  }
0xbf: {  	s3 =	sand.u32 $0x4000, s31;
	s1 =	sadd.s32 s1, s30  }
0xc0: {  	s0 =	sor.u32 s3, s0;
	s1 =	sshll.u32 s1, $0x11  }
0xc1: {  	s0 =	sor.u32 s1, s0  }
0xc2: {  	s0 =	sadd.s32 $0x8F2B, s0  }
0xc3: {  	[sflag:s0] =	ssyncadd.remote.s32 $0x1  }
0xc4: {  	_ =	sfence.sel $0xFFFF  }
0xc5: {  	[dreg:$0x0] =	wrdreg $0xFFFFFFFF;
	(pc) =	sbr.abs _section_cstart, $3  }
0xc6: {  	[dreg:$0x1] =	wrdreg $0xFFFFFFFF  }
0xc7: {  	_ =	task.clear_ibuf [dreg:s7], $0x2FFFF;
	_ =	strace $0x9FFFFFFF  }
0xc8: {  	(tm) =	ssettm $0x7FFFFFFF  }
0xc9: {  	_ =	shalt  }
tec
execute0_lowered:
.L_overlay_start_1:
0x0: {  	(tag) =	ssettag $0x1  }
0x1: {  	s0 =	rddreg [dreg:$0x0]  }
0x2: {  	s1 =	rddreg [dreg:$0x1];
	s2 =	simm.s32 $0x0;
	s7 =	stileid.u32  }
0x3: {  	s4 =	srdreg.scid;
	s14 =	simm.s32 $0x200;
	s15 =	simm.s32 $0x1  }
0x4: {  	s16 =	simm.s32 $0x4000;
	s17 =	simm.s32 $0x8000;
	s18 =	simm.s32 $0xC000  }
0x5: {  	s19 =	simm.s32 $0x10000;
	s20 =	simm.s32 $0x10400;
	[smem:$0x7FF] =	sst s2  }
0x6: {  	s3 =	sshrl.u32 s7, $0x2;
	s4 =	sand.u32 $0x1, s4;
	s7 =	sshll.u32 s7, $0x1  }
0x7: {  	_ =	strace $0x80000047;
	s6 =	sshll.u32 s3, $0x4;
	s5 =	ssub.s32 $0x2, s4  }
0x8: {  	s3 =	sshll.u32 s3, $0xE;
	s10 =	sadd.s32 s6, s0;
	s1 =	sadd.s32 s1, s6  }
0x9: {  	s7 =	sand.u32 $0x6, s7;
	s23 =	sadd.s32 $0x3E00, s10;
	[dreg:$0x5] =	wrdreg s1  }
0xa: {  	s8 =	sshrl.u32 s5, $0x1;
	s24 =	sadd.s32 $0x1E00, s10;
	[dreg:$0x3] =	wrdreg s23  }
0xb: {  	s0 =	sadd.s32 s3, s0;
	s25 =	sadd.s32 $0x5E00, s10;
	[dreg:$0x4] =	wrdreg s24  }
0xc: {  	v0 =	vlaneseq.u32;
	s3 =	sor.u32 s4, s7;
	s26 =	sadd.s32 $0x1C00, s10;
	[dreg:$0x6] =	wrdreg s25  }
0xd: {  	v1 =	vmul.u32 $0x200, v0;
	s12 =	ssub.s32 s5, s8;
	s29 =	sadd.s32 $0x8000, s10;
	[dreg:$0x7] =	wrdreg s26  }
0xe: {  	s28 =	sshll.u32 s3, $0x7;
	s30 =	sadd.s32 $0x7E00, s10;
	[dreg:$0x8] =	wrdreg s29  }
0xf: {  	vm0 =	vmmov $0x1;
	v2 =	vor.u32 $0x10, v0;
	v3 =	vor.u32 $0x80, v1;
	[dreg:$0x9] =	wrdreg s30;
	s0 =	sadd.s32 s28, s0;
	s31 =	smax.u32 s12, $0x1  }
0x10: {  	s21 =	simm.s32 $0x10800;
	v4 =	vor.u32 $0x100, v1;
	v5 =	vor.u32 $0x180, v1;
	v6 =	vor.u32 $0x2000, v1;
	s0 =	sadd.s32 $0x8200, s0;
	[dreg:$0xb] =	wrdreg s31  }
0x11: {  	s22 =	simm.s32 $0x10D00;
	v7 =	vor.u32 $0x2080, v1;
	v8 =	vor.u32 $0x2100, v1;
	v9 =	vor.u32 $0x2180, v1;
	s25 =	simm.s32 $0x0;
	[dreg:$0xa] =	wrdreg s0  }
.LBB2_1:
0x12: {  	s0 =	rddreg [dreg:$0x3];
	s1 =	simm.s32 $0x80  }
0x13: {  	[tilespmem:s2], [sflag:$0x1] =	stream.strided.gather [hbm4b:s0+s1], $0x4000, s14, s1, $0x38;
	[tilespmem:$0x14D00] =	vst v63  }
0x14: {  	_ =	swait.ge [sflag:s15], $0x4000  }
0x15: {  	[sflag:s15] =	ssyncset.done $0x0  }
0x16: {  	s24 =	rddreg [dreg:$0x4];
	[sflag:s15] =	ssyncadd.s32 $0xFFFFC000  }
0x17: {  	[tilespmem:s16], [sflag:$0x1] =	stream.strided.gather [hbm4b:s24+s1], $0x4000, s14, s1, $0x38;
	[tilespmem:$0x14D00] =	vst v63  }
0x18: {  	_ =	swait.ge [sflag:s15], $0x4000  }
0x19: {  	[sflag:s15] =	ssyncset.done $0x0  }
0x1a: {  	s26 =	rddreg [dreg:$0x5];
	[sflag:s15] =	ssyncadd.s32 $0xFFFFC000  }
0x1b: {  	[tilespmem:s17], [sflag:$0x1] =	stream.strided.gather [hbm4b:s26+s1], $0x4000, s14, s1, $0x38;
	[tilespmem:$0x14D00] =	vst v63  }
0x1c: {  	_ =	swait.ge [sflag:s15], $0x4000  }
0x1d: {  	[sflag:s15] =	ssyncset.done $0x0  }
0x1e: {  	s28 =	rddreg [dreg:$0x6];
	[sflag:s15] =	ssyncadd.s32 $0xFFFFC000  }
0x1f: {  	[tilespmem:s18], [sflag:$0x1] =	stream.strided.gather [hbm4b:s28+s1], $0x4000, s14, s1, $0x38;
	[tilespmem:$0x14D00] =	vst v63  }
0x20: {  	_ =	swait.ge [sflag:s15], $0x4000  }
0x21: {  	[sflag:s15] =	ssyncset.done $0x0  }
0x22: {  	s29 =	rddreg [dreg:$0x7];
	[sflag:s15] =	ssyncadd.s32 $0xFFFFC000  }
0x23: {  	[tilespmem:s19], [sflag:$0x1] =	stream.strided.gather [hbm4b:s29+s1], $0x400, s14, s1, $0x38;
	[tilespmem:$0x14D00] =	vst v63  }
0x24: {  	_ =	swait.ge [sflag:s15], $0x400  }
0x25: {  	[sflag:s15] =	ssyncset.done $0x0  }
0x26: {  	s30 =	rddreg [dreg:$0x8];
	[sflag:s15] =	ssyncadd.s32 $0xFFFFFC00  }
0x27: {  	[tilespmem:s20], [sflag:$0x1] =	stream.strided.gather [hbm4b:s30+s1], $0x400, s14, s1, $0x38;
	[tilespmem:$0x14D00] =	vst v63  }
0x28: {  	_ =	swait.ge [sflag:s15], $0x400  }
0x29: {  	[sflag:s15] =	ssyncset.done $0x0  }
0x2a: {  	s31 =	rddreg [dreg:$0x9];
	[sflag:s15] =	ssyncadd.s32 $0xFFFFFC00  }
0x2b: {  	[tilespmem:s21], [sflag:$0x1] =	stream.strided.gather [hbm4b:s31+s1], $0x400, s14, s1, $0x38;
	[tilespmem:$0x14D00] =	vst v63  }
0x2c: {  	_ =	swait.ge [sflag:s15], $0x400  }
0x2d: {  	[sflag:s15] =	ssyncset.done $0x0  }
0x2e: {  	s26 =	simm.s32 $0x0;
	[sflag:s15] =	ssyncadd.s32 $0xFFFFFC00  }
.LBB2_2:
0x2f: {  	s0 =	sshll.u32 s26, $0x3  }
0x30: {  	s0 =	sor.u32 s3, s0  }
0x31: {  	v11 =	vmov s0;
	_ =	sdelay $0x4  }
0x32: {  	v12 =	vld.idx.msk [tilespmem:v11+s19+$0x0], $0xffff  }
0x33: {  	s28 =	simm.s32 $0x70;
	s29 =	simm.s32 $0x8040;
	s30 =	simm.s32 $0x4040;
	v10 =	vld.idx.msk [tilespmem:v11+s20+$0x0], $0xffff  }
0x34: {  	s31 =	simm.s32 $0x40;
	s1 =	simm.s32 $0x0;
	s0 =	simm.s32 $0x0;
	v11 =	vld.idx.msk [tilespmem:v11+s21+$0x0], $0xffff  }
.LBB2_3:
0x35: {  	v13 =	vld [tilespmem:s31+$0xFFFFFFC0]  }
0x36: {  	v14 =	vld [tilespmem:s31+$0xFFFFFFD0]  }
0x37: {  	v15 =	vld [tilespmem:s30+$0xFFFFFFD0]  }
0x38: {  	v16 =	vld [tilespmem:s30+$0xFFFFFFC0]  }
0x39: {  	v17 =	vld [tilespmem:s29+$0xFFFFFFD0]  }
0x3a: {  	v18 =	vld [tilespmem:s29+$0xFFFFFFC0]  }
0x3b: {  	v19 =	vld [tilespmem:s31+$0xFFFFFFE0]  }
0x3c: {  	v20 =	vld [tilespmem:s30+$0xFFFFFFE0]  }
0x3d: {  	v21 =	vld [tilespmem:s29+$0xFFFFFFE0]  }
0x3e: {  	v22 =	vld [tilespmem:s31+$0xFFFFFFF0]  }
0x3f: {  	v23 =	vld [tilespmem:s30+$0xFFFFFFF0]  }
0x40: {  	v24 =	vld [tilespmem:s31+$0x0];
	v14 =	vsub.f32 v14, v12  }
0x41: {  	v36 =	vld [tilespmem:s30+$0x10];
	v15 =	vsub.f32 v15, v10;
	v13 =	vsub.f32 v13, v12  }
0x42: {  	v39 =	vld [tilespmem:s29+$0x10];
	v16 =	vsub.f32 v16, v10;
	v17 =	vsub.f32 v17, v11  }
0x43: {  	v26 =	vld [tilespmem:s31+$0x20];
	v18 =	vsub.f32 v18, v11;
	v19 =	vsub.f32 v19, v12  }
0x44: {  	v27 =	vld [tilespmem:s30+$0x20];
	v20 =	vsub.f32 v20, v10;
	v35 =	vsub.f32 v21, v11  }
0x45: {  	v28 =	vld [tilespmem:s31+$0x30];
	v38 =	vsub.f32 v22, v12;
	v23 =	vsub.f32 v23, v10  }
0x46: {  	v21 =	vsub.f32 v36, v10;
	v24 =	vsub.f32 v24, v12  }
0x47: {  	v43 =	vld [tilespmem:s30+$0x30];
	v22 =	vsub.f32 v39, v11;
	v14 =	vmul.f32 v14, v14;
	v15 =	vmul.f32 v15, v15  }
0x48: {  	v45 =	vld [tilespmem:s29+$0x20];
	v48 =	vsub.f32 v26, v12;
	v13 =	vmul.f32 v13, v13;
	v16 =	vmul.f32 v16, v16  }
0x49: {  	v33 =	vld [tilespmem:s29+$0xFFFFFFF0];
	v49 =	vsub.f32 v27, v10;
	v34 =	vmul.f32 v18, v18;
	v19 =	vmul.f32 v19, v19  }
0x4a: {  	v37 =	vld [tilespmem:s30+$0x0];
	v51 =	vsub.f32 v28, v12;
	v20 =	vmul.f32 v20, v20;
	v18 =	vmul.f32 v35, v35  }
0x4b: {  	v41 =	vld [tilespmem:s29+$0x0];
	v40 =	vmul.f32 v38, v38;
	v14 =	vadd.f32 v15, v14;
	v15 =	vmul.f32 v17, v17  }
0x4c: {  	v23 =	vmul.f32 v23, v23;
	v42 =	vmul.f32 v24, v24;
	v24 =	vsub.f32 v43, v10  }
0x4d: {  	v44 =	vmul.f32 v22, v22;
	v22 =	vsub.f32 v45, v11;
	v14 =	vadd.f32 v15, v14;
	v15 =	vld [tilespmem:s31+$0x10]  }
0x4e: {  	v47 =	vld [tilespmem:s29+$0x30];
	v21 =	vmul.f32 v21, v21;
	v13 =	vadd.f32 v16, v13;
	v19 =	vadd.f32 v20, v19  }
0x4f: {  	v27 =	vmul.f32 v51, v51;
	v17 =	vsub.f32 v33, v11;
	v16 =	vsub.f32 v37, v10  }
0x50: {  	v20 =	vsub.f32 v41, v11;
	v24 =	vmul.f32 v24, v24;
	v22 =	vmul.f32 v22, v22  }
0x51: {  	v13 =	vadd.f32 v34, v13;
	v18 =	vadd.f32 v18, v19;
	v17 =	vmul.f32 v17, v17  }
0x52: {  	v19 =	vadd.f32 v23, v40;
	vm1 =	vle.f32 v14, $1.000000000e+00;
	v15 =	vsub.f32 v15, v12  }
0x53: {  	v16 =	vmul.f32 v16, v16;
	v23 =	vsub.f32 v47, v11;
	v25 =	vmpcnt.ones.xlane vm1  }
0x54: {  	v20 =	vmul.f32 v20, v20;
	v24 =	vadd.f32 v24, v27;
	v15 =	vmul.f32 v15, v15  }
0x55: {  	vm2 =	vle.f32 v13, $1.000000000e+00;
	v17 =	vadd.f32 v17, v19;
	v46 =	vshll.u32 v25, $0x8  }
0x56: {  	v25 =	vmul.f32 v49, v49;
	v15 =	vadd.f32 v21, v15;
	v21 =	vmul.f32 v48, v48  }
0x57: {  	v16 =	vadd.f32 v16, v42;
	v23 =	vmul.f32 v23, v23;
	vm1 =	vle.f32 v18, $1.000000000e+00  }
0x58: {  	v29 =	vmpcnt.ones.xlane vm2;
	v50 =	vmpcnt.ones.xlane vm1;
	v21 =	vadd.f32 v25, v21  }
0x59: {  	vm1 =	vle.f32 v17, $1.000000000e+00;
	v16 =	vadd.f32 v20, v16;
	v15 =	vadd.f32 v44, v15  }
0x5a: {  	v53 =	vmpcnt.ones.xlane vm1;
	v19 =	vadd.s32 v29, v46;
	v20 =	vadd.f32 v22, v21  }
0x5b: {  	v52 =	vshll.u32 v50, $0x10;
	vm1 =	vle.f32 v15, $1.000000000e+00;
	v22 =	vadd.f32 v23, v24  }
0x5c: {  	vm2 =	vle.f32 v16, $1.000000000e+00;
	v54 =	vmpcnt.ones.xlane vm1;
	vm1 =	vle.f32 v20, $1.000000000e+00  }
0x5d: {  	v55 =	vmpcnt.ones.xlane vm2;
	v56 =	vmpcnt.ones.xlane vm1;
	vm1 =	vle.f32 v22, $1.000000000e+00  }
0x5e: {  	v19 =	vadd.s32 v52, v19;
	v23 =	vshll.u32 v54, $0x8;
	v57 =	vmpcnt.ones.xlane vm1  }
0x5f: {  	v21 =	vshll.u32 v53, $0x18;
	v23 =	vadd.s32 v55, v23;
	v58 =	vshll.u32 v56, $0x10  }
0x60: {  	v19 =	vadd.s32 v21, v19;
	v59 =	vadd.s32 v58, v23;
	v60 =	vshll.u32 v57, $0x18  }
0x61: {  	v19 =	vxor.u32 $0x80000000, v19;
	v21 =	vadd.s32 v60, v59  }
0x62: {  	(xrf0) =	vmax.scan.msk.u32 $0xffff, v19;
	v61 =	vxor.u32 $0x80000000, v21  }
0x63: {  	(xrf0) =	vmax.scan.msk.u32 $0xffff, v61;
	_ =	sdelay $0x4  }
0x64: {  	v62, _, _ =	vpop (xrf0)  }
0x65: {  	(v2sf) =	vpush v62, $0xF;
	v63, _, _ =	vpop (xrf0)  }
0x66: {  	(v2sf) =	vpush v63, $0xF;
	_ =	sdelay $0xd  }
0x67: {  	s23 =	spop (v2sf)  }
0x68: {  	s4 =	spop (v2sf)  }
0x69: {  	s24 =	sadd.s32 $0xFFFFFF90, s28;
	s6 =	sxor.u32 $0x80000000, s23;
	s7 =	sxor.u32 $0x80000000, s4  }
0x6a: {  	s5 =	sadd.s32 $0xFFFFFFA0, s28;
	s9 =	sshrl.u32 s23, $0x8;
	s10 =	sor.u32 s6, s7  }
0x6b: {  	s11 =	sand.u32 $0xFF, s23;
	s13 =	sshrl.u32 s23, $0x10;
	p0 =	sgt.s32 s10, $0x0  }
0x6c: {  	s9 =	sand.u32 $0xFF, s9;
	s23 =	sadd.s32 @p0 s1, s11;
	s11 =	sadd.s32 @!p0 s1, s11  }
0x6d: {  	s10 =	sand.u32 $0xFF, s13;
	s12 =	sadd.s32 @p0 s9, s23;
	s9 =	sadd.s32 @!p0 s9, s11  }
0x6e: {  	s6 =	sshrl.u32 s6, $0x18;
	s11 =	sadd.s32 @p0 s10, s12;
	s9 =	sadd.s32 @!p0 s10, s9  }
0x6f: {  	v19 =	vlaneseq.u32 @p0;
	s10 =	sand.u32 $0xFF, s4;
	s13 =	sadd.s32 @p0 s6, s11;
	s6 =	sadd.s32 @!p0 s6, s9  }
0x70: {  	vm1 =	vle.f32 @p0 v13, $1.000000000e+00;
	v13 =	vor.u32 @p0 s24, v19;
	s9 =	sshrl.u32 s4, $0x8;
	s24 =	sadd.s32 @p0 s13, s10;
	s6 =	sadd.s32 @!p0 s10, s6  }
0x71: {  	s4 =	sshrl.u32 s4, $0x10;
	s9 =	sand.u32 $0xFF, s9;
	s6 =	smov.u32 @p0 s24  }
0x72: {  	s8 =	sadd.s32 $0xFFFFFFB0, s28;
	vm2 =	vle.f32 @p0 v14, $1.000000000e+00;
	[tilespmem:s1+$0x10C00] =	vst.msk @p0 vm1, v13;
	v13 =	vor.u32 @p0 s5, v19;
	s4 =	sand.u32 $0xFF, s4;
	s10 =	sadd.s32 s9, s6  }
0x73: {  	s7 =	sshrl.u32 s7, $0x18;
	s1 =	sadd.s32 $0xFFFFFFC0, s28;
	vm1 =	vle.f32 @p0 v18, $1.000000000e+00;
	[tilespmem:s23+$0x10C00] =	vst.msk @p0 vm2, v13;
	v13 =	vor.u32 @p0 s8, v19;
	s23 =	sadd.s32 s4, s10  }
0x74: {  	p1 =	sgt.u32 s0, $0x3F7;
	[tilespmem:s12+$0x10C00] =	vst.msk @p0 vm1, v13;
	v13 =	vor.u32 @p0 s1, v19;
	s1 =	sadd.s32 s7, s23  }
0x75: {  	p2 =	slt.s32 @!p1 s1, $0x20  }
0x76: {  	vm2 =	vle.f32 @p0 v17, $1.000000000e+00;
	s6 =	sadd.s32 $0xFFFFFFD0, s28;
	p1 =	por p1, !p2  }
.Ltmp0:
0x77: {  	s5 =	sadd.s32 $0xFFFFFFE0, s28;
	vm1 =	vle.f32 @p0 v16, $1.000000000e+00;
	[tilespmem:s11+$0x10C00] =	vst.msk @p0 vm2, v13;
	v13 =	vor.u32 @p0 s6, v19;
	(pc) =	sbr.rel @!p1 .LBB2_3-.Ltmp0, $4  }
0x78: {  	vm2 =	vle.f32 @p0 v15, $1.000000000e+00;
	s6 =	sadd.s32 $0xFFFFFFF0, s28;
	[tilespmem:s13+$0x10C00] =	vst.msk @p0 vm1, v13;
	v13 =	vor.u32 @p0 s5, v19;
	s5 =	sadd.s32 @p0 $0x10C00, s24  }
0x79: {  	vm1 =	vle.f32 @p0 v20, $1.000000000e+00;
	[tilespmem:s24+$0x10C00] =	vst.msk @p0 vm2, v13;
	v13 =	vor.u32 @p0 s6, v19;
	s5 =	sadd.s32 @p0 s9, s5  }
0x7a: {  	s0 =	sadd.s32 $0x8, s0;
	s29 =	sadd.s32 $0x80, s29;
	v14 =	vor.u32 @p0 s28, v19;
	vm2 =	vle.f32 @p0 v22, $1.000000000e+00;
	[tilespmem:s5+$0x0] =	vst.msk @p0 vm1, v13;
	s4 =	sadd.s32 @p0 s4, s5  }
0x7b: {  	s30 =	sadd.s32 $0x80, s30;
	s31 =	sadd.s32 $0x80, s31;
	s28 =	sadd.s32 $0x80, s28;
	[tilespmem:s4+$0x0] =	vst.msk @p0 vm2, v14  }
0x7c: {  	v13 =	vld [tilespmem:$0x10C00];
	_ =	sdelay $0x4  }
0x7d: {  	v14 =	vnsel vm0, $0x80000000, v13  }
0x7e: {  	v14 =	vxor.u32 $0x80000000, v14  }
0x7f: {  	(xrf0) =	vmax.scan.msk.u32 $0xffff, v14;
	_ =	sdelay $0x5  }
0x80: {  	v14, _, _ =	vpop (xrf0)  }
0x81: {  	(v2sf) =	vpush v14, $0xF;
	_ =	sdelay $0xe  }
0x82: {  	v51 =	vmov s1;
	s0 =	spop (v2sf)  }
0x83: {  	vm1 =	vgt.s32 v51, v0;
	s0 =	sxor.u32 $0x80000000, s0  }
0x84: {  	v13 =	vnsel vm1, s0, v13  }
0x85: {  	v15 =	vld [tilespmem:$0x10C10];
	vm1 =	vgt.s32 v13, $0x0  }
0x86: {  	v16 =	vnsel vm1, $0x0, v13  }
0x87: {  	v16 =	vmin.u32 v16, $0x3FFF;
	_ =	sdelay $0x1  }
0x88: {  	vm1 =	vgt.s32 v51, v2  }
0x89: {  	v53 =	vmov s26;
	[tilespmem:$0x10C00] =	vst v13;
	v52 =	vnsel vm1, s0, v15  }
0x8a: {  	v54 =	vand.u32 $0x7F, v53;
	[tilespmem:$0x10C10] =	vst v52  }
0x8b: {  	v13 =	vbroadcast v54, $0x0;
	v55 =	vld.idx.msk [tilespmem:v16+s2+$0x0], $0xffff;
	_ =	sdelay $0x1  }
0x8c: {  	v56 =	vor.u32 v1, v13;
	_ =	sdelay $0x2  }
0x8d: {  	v14 =	vsub.f32 v55, v12;
	_ =	sdelay $0x1  }
0x8e: {  	[tilespmem:v56+s22+$0x0] =	vst.idx.msk $0xffff, v14  }
0x8f: {  	v14 =	vld.idx.msk [tilespmem:v16+s16+$0x0], $0xffff;
	_ =	sdelay $0x1  }
0x90: {  	v57 =	vor.u32 v3, v13;
	_ =	sdelay $0x2  }
0x91: {  	v14 =	vsub.f32 v14, v10;
	_ =	sdelay $0x1  }
0x92: {  	[tilespmem:v57+s22+$0x0] =	vst.idx.msk $0xffff, v14  }
0x93: {  	v14 =	vld.idx.msk [tilespmem:v16+s17+$0x0], $0xffff;
	_ =	sdelay $0x1  }
0x94: {  	v58 =	vor.u32 v4, v13;
	_ =	sdelay $0x2  }
0x95: {  	v14 =	vsub.f32 v14, v11;
	_ =	sdelay $0x1  }
0x96: {  	[tilespmem:v58+s22+$0x0] =	vst.idx.msk $0xffff, v14  }
0x97: {  	v59 =	vor.u32 v5, v13;
	v14 =	vld.idx.msk [tilespmem:v16+s18+$0x0], $0xffff;
	_ =	sdelay $0x4  }
0x98: {  	[tilespmem:v59+s22+$0x0] =	vst.idx.msk $0xffff, v14  }
0x99: {  	v14 =	vld [tilespmem:$0x10C10];
	_ =	sdelay $0x4  }
0x9a: {  	vm1 =	vgt.s32 v14, $0x0  }
0x9b: {  	v14 =	vnsel vm1, $0x0, v14  }
0x9c: {  	v14 =	vmin.u32 v14, $0x3FFF;
	_ =	sdelay $0x4  }
0x9d: {  	v15 =	vld.idx.msk [tilespmem:v14+s2+$0x0], $0xffff;
	_ =	sdelay $0x1  }
0x9e: {  	v60 =	vor.u32 v6, v13;
	_ =	sdelay $0x2  }
0x9f: {  	v61 =	vsub.f32 v15, v12;
	_ =	sdelay $0x1  }
0xa0: {  	[tilespmem:v60+s22+$0x0] =	vst.idx.msk $0xffff, v61  }
0xa1: {  	v12 =	vld.idx.msk [tilespmem:v14+s16+$0x0], $0xffff;
	_ =	sdelay $0x1  }
0xa2: {  	v62 =	vor.u32 v7, v13;
	_ =	sdelay $0x2  }
0xa3: {  	v10 =	vsub.f32 v12, v10;
	_ =	sdelay $0x1  }
0xa4: {  	[tilespmem:v62+s22+$0x0] =	vst.idx.msk $0xffff, v10  }
0xa5: {  	v10 =	vld.idx.msk [tilespmem:v14+s17+$0x0], $0xffff;
	_ =	sdelay $0x1  }
0xa6: {  	v63 =	vor.u32 v8, v13;
	_ =	sdelay $0x2  }
0xa7: {  	v10 =	vsub.f32 v10, v11;
	_ =	sdelay $0x1  }
0xa8: {  	s26 =	sadd.s32 $0x1, s26;
	[tilespmem:v63+s22+$0x0] =	vst.idx.msk $0xffff, v10  }
0xa9: {  	p0 =	sne.s32 s26, $0x80;
	v11 =	vor.u32 v9, v13;
	v10 =	vld.idx.msk [tilespmem:v14+s18+$0x0], $0xffff  }
.Ltmp1:
0xaa: {  	_ = 	snop;
	(pc) =	sbr.rel @p0 .LBB2_2-.Ltmp1, $2  }
0xab: {  	_ =	sdelay $0x2  }
0xac: {  	[tilespmem:v11+s22+$0x0] =	vst.idx.msk $0xffff, v10  }
0xad: {  	s0 =	rddreg [dreg:$0xa];
	s1 =	simm.s32 $0x400;
	s4 =	simm.s32 $0x2000  }
0xae: {  	[hbm4b:s0+s1] =	stream.strided.scatter [tilespmem:s22], [sflag:$0x1], $0x4000, s4, s1, $0x38;
	[tilespmem:$0x14D00] =	vst v63  }
0xaf: {  	_ =	swait.ge [sflag:s15], $0x4000  }
0xb0: {  	s25 =	sadd.s32 $0x1, s25;
	s31 =	rddreg [dreg:$0xb]  }
0xb1: {  	p0 =	sne.s32 s25, s31  }
.Ltmp2:
0xb2: {  	_ = 	snop;
	(pc) =	sbr.rel @p0 .LBB2_1-.Ltmp2, $3  }
0xb3: {  	_ =	sdelay $0x1  }
0xb4: {  	[sflag:s15] =	ssyncset.done $0x0  }
0xb5: {  	[sflag:s15] =	ssyncadd.s32 $0xFFFFC000  }
0xb6: {  	_ =	sfence.sel $0x180000  }
0xb7: {  	[bflag:$0x0] =	sbarrier.arrive $0xFFFF  }
0xb8: {  	_ =	strace $0x90000047  }
0xb9: {  	s0 =	stileid.u32;
	[bflag:$0x2] =	sbarrier.arrive $0xFFFF  }
0xba: {  	p0 =	sne.s32 s0, $0x0;
	s0 =	rddreg [dreg:$0x2]  }
0xbb: {  	s0 =	sadd.s32 @!p0 $0x100000, s0  }
0xbc: {  	[sflag:s0] =	ssyncadd.tile.s32 @!p0 $0x1;
	_ =	shalt  }
.Lfunc_end2:
_tile_overlayer_lowered:
.L_overlay_start_2:
0xbd: {  	(tag) =	ssettag $0x2  }
0xbe: {  	s0 =	rddreg [dreg:$0x0];
	s2 =	stileid.u32  }
0xbf: {  	s1 =	rddreg [dreg:$0x1];
	p0 =	sne.s32 s2, $0x0  }
0xc0: {  	s3 =	rddreg [dreg:$0x2];
	[bflag:$0x3] =	sbarrier.arrive $0xFFFF;
	s2 =	simm.s32 @!p0 $0x1C01  }
0xc1: {  	[timem:s3], [sflag:s2] =	dma.local @!p0 [hbm:s0], s1  }
0xc2: {  	s0 =	simm.s32 @!p0 $0x1  }
0xc3: {  	_ =	swait.ge @!p0 [sflag:s0], s1  }
0xc4: {  	s1 =	ssub.s32 @!p0 $0x0, s1;
	[sflag:s0] =	ssyncset.done @!p0 $0x0  }
0xc5: {  	[sflag:s0] =	ssyncadd.s32 @!p0 s1  }
0xc6: {  	[bflag:$0x3] =	sbarrier.arrive $0xFFFF  }
0xc7: {  	_ =	shalt  }

</sc_bundles>
